<compile_context>
chip_gen: v7x
topology: tpu7x:2x2x1
jax: 0.10.2.dev20260603
libtpu: 0.0.44.dev20260713+nightly
codegen_flags: <defaults>
</compile_context>

<pallas_src>
import functools

import jax
import jax.numpy as jnp
from jax import lax
from jax.experimental import pallas as pl
from jax.experimental.pallas import tpu as pltpu
from jax.experimental.pallas import tpu_sc as plsc

N = 10000
E = 320000
F = 128
FH = F // 2
NPAD = 10240
EPAD = 327680
EROWS = EPAD // 128
RPT = EROWS // 16

_MESH = plsc.VectorSubcoreMesh(core_axis_name="c", subcore_axis_name="s")


def _rsqrt16(d):
    i = lax.bitcast_convert_type(d, jnp.int32)
    y = lax.bitcast_convert_type(jnp.int32(0x5F3759DF) - (i >> 1), jnp.float32)
    half = d * 0.5
    for _ in range(4):
        y = y * (1.5 - half * y * y)
    return jnp.where(d > 0.0, y, 0.0)


def _sc_body(src_hbm, dst_hbm, ew_hbm, xl_hbm, xr_hbm, out_hbm,
             r2d, c2d, w2d, dis, hbuf, deg_sh, tx1_sh, sem):
    s = lax.axis_index("s")
    c = lax.axis_index("c")

    def _zrow(i, _):
        for k in range(FH // 16):
            hbuf[i, pl.ds(k * 16, 16)] = jnp.zeros((16,), jnp.float32)
        return 0
    lax.fori_loop(0, 128, _zrow, 0)
    for k in range(5):
        pltpu.sync_copy(hbuf, tx1_sh.at[pl.ds(s * 640 + k * 128, 128)])
    for k in range(10):
        pltpu.sync_copy(hbuf.at[0], deg_sh.at[pl.ds(s * 640 + k * 64, 64)])
    plsc.subcore_barrier()

    pltpu.sync_copy(src_hbm.at[pl.ds(s * RPT, RPT)], r2d)
    pltpu.sync_copy(dst_hbm.at[pl.ds(s * RPT, RPT)], c2d)
    pltpu.sync_copy(ew_hbm.at[pl.ds(s * RPT, RPT)], w2d)

    def _deg_row(j, _):
        def _mask(k, _):
            sl = pl.ds(k * 16, 16)
            w2d[j, sl] = jnp.where(r2d[j, sl] == c2d[j, sl], 0.0, w2d[j, sl])
            return 0
        lax.fori_loop(0, 8, _mask, 0)
        pltpu.sync_copy(w2d.at[j], deg_sh.at[r2d.at[j]], add=True)
        return 0
    lax.fori_loop(0, RPT, _deg_row, 0)
    plsc.subcore_barrier()

    pltpu.sync_copy(deg_sh, dis)

    def _dis(i, _):
        sl = pl.ds(i * 16, 16)
        dis[sl] = _rsqrt16(dis[sl])
        return 0
    lax.fori_loop(0, NPAD // 16, _dis, 0)

    def _norm_row(j, _):
        def _norm_lane(k, _):
            sl = pl.ds(k * 16, 16)
            dr = plsc.load_gather(dis, [r2d[j, sl]])
            dc = plsc.load_gather(dis, [c2d[j, sl]])
            w2d[j, sl] = -(dr * w2d[j, sl] * dc)
            return 0
        return lax.fori_loop(0, 8, _norm_lane, 0)
    lax.fori_loop(0, RPT, _norm_row, 0)

    def _edge_rows(x_hbm):
        def _edge_row(j, _):
            pltpu.async_copy(x_hbm.at[r2d.at[j]], hbuf, sem).wait()

            def _scale(i, _):
                nb = plsc.load_gather(
                    w2d, [jnp.full((16,), j, jnp.int32),
                          jnp.full((16,), i, jnp.int32)])
                for k in range(FH // 16):
                    sl = pl.ds(k * 16, 16)
                    hbuf[i, sl] = hbuf[i, sl] * nb
                return 0
            lax.fori_loop(0, 128, _scale, 0)
            pltpu.sync_copy(hbuf, tx1_sh.at[c2d.at[j]], add=True)
            return 0
        lax.fori_loop(0, RPT, _edge_row, 0)

    @pl.when(c == 0)
    def _():
        _edge_rows(xl_hbm)

    @pl.when(c == 1)
    def _():
        _edge_rows(xr_hbm)

    plsc.subcore_barrier()

    for k in range(5):
        sl = pl.ds(s * 640 + k * 128, 128)
        pltpu.sync_copy(tx1_sh.at[sl], out_hbm.at[c, sl])


_sc_tx1 = functools.partial(
    pl.kernel,
    out_type=jax.ShapeDtypeStruct((2, NPAD, FH), jnp.float32),
    mesh=_MESH,
    compiler_params=pltpu.CompilerParams(
        needs_layout_passes=False, use_tc_tiling_on_sc=False),
    scratch_types=[
        pltpu.VMEM((RPT, 128), jnp.int32),
        pltpu.VMEM((RPT, 128), jnp.int32),
        pltpu.VMEM((RPT, 128), jnp.float32),
        pltpu.VMEM((NPAD,), jnp.float32),
        pltpu.VMEM((128, FH), jnp.float32),
        pltpu.VMEM_SHARED((NPAD,), jnp.float32),
        pltpu.VMEM_SHARED((NPAD, FH), jnp.float32),
        pltpu.SemaphoreType.DMA,
    ],
)(_sc_body)


def _tc_body(x_ref, p0_ref, p1_ref, wx_ref, wt_ref, bz_ref, bh_ref,
             wl_ref, bl_ref, o_ref):
    tx = jnp.concatenate([p0_ref[...], p1_ref[...]], axis=1)
    h = (jnp.dot(x_ref[...], wx_ref[...], preferred_element_type=jnp.float32)
         + jnp.dot(tx, wt_ref[...], preferred_element_type=jnp.float32))
    z = jax.nn.sigmoid(h[:, :F] + bz_ref[...])
    ht = jnp.tanh(h[:, F:] + bh_ref[...])
    g = jnp.maximum((1.0 - z) * ht, 0.0)
    o_ref[...] = jnp.dot(g, wl_ref[...], preferred_element_type=jnp.float32) + bl_ref[...]


_TC_BLK = 400
_tc_dense = pl.pallas_call(
    _tc_body,
    grid=(N // _TC_BLK,),
    in_specs=[
        pl.BlockSpec((_TC_BLK, F), lambda i: (i, 0)),
        pl.BlockSpec((_TC_BLK, FH), lambda i: (i, 0)),
        pl.BlockSpec((_TC_BLK, FH), lambda i: (i, 0)),
        pl.BlockSpec((F, 2 * F), lambda i: (0, 0)),
        pl.BlockSpec((F, 2 * F), lambda i: (0, 0)),
        pl.BlockSpec((1, F), lambda i: (0, 0)),
        pl.BlockSpec((1, F), lambda i: (0, 0)),
        pl.BlockSpec((F, 1), lambda i: (0, 0)),
        pl.BlockSpec((1, 1), lambda i: (0, 0)),
    ],
    out_specs=pl.BlockSpec((_TC_BLK, 1), lambda i: (i, 0)),
    out_shape=jax.ShapeDtypeStruct((N, 1), jnp.float32),
)


def kernel(x, edge_index, edge_weight,
           W0_xz, W1_xz, b_xz, W0_hz, W1_hz, b_hz,
           W0_xr, W1_xr, b_xr, W0_hr, W1_hr, b_hr,
           W0_xh, W1_xh, b_xh, W0_hh, W1_hh, b_hh,
           Wl, bl):
    pad = EPAD - E
    src = jnp.concatenate([edge_index[0], jnp.zeros((pad,), jnp.int32)]).reshape(EROWS, 128)
    dst = jnp.concatenate([edge_index[1], jnp.zeros((pad,), jnp.int32)]).reshape(EROWS, 128)
    ew = jnp.concatenate([edge_weight, jnp.zeros((pad,), jnp.float32)]).reshape(EROWS, 128)
    xl = x[:, :FH]
    xr = x[:, FH:]
    halves = _sc_tx1(src, dst, ew, xl, xr)

    wx = jnp.concatenate([W0_xz, W0_xh], axis=1)
    wt = jnp.concatenate([W1_xz, W1_xh], axis=1)
    bz = (b_xz + b_hz).reshape(1, F)
    bh = (b_xh + b_hh).reshape(1, F)

    return _tc_dense(x, halves[0, :N], halves[1, :N], wx, wt, bz, bh,
                     Wl, bl.reshape(1, 1))

# --- scband reference (transcript-rebuilt; emitter-appended) ---
"""Pipeline reference for scband-spatio-temporal-model-69604239999030 (READ-ONLY COPY).

The authoritative reference and input builder live on the scoring server;
editing this copy changes nothing except your own understanding.
"""

import jax, jax.numpy as jnp
import numpy as np

N = 10000
E = 320000
F_IN = 128
HID = 128
OUT = 1


def _cheb_norm(edge_index, edge_weight):
    # PyG ChebConv.__norm__ with normalization='sym', lambda_max=2.0:
    # remove self loops, L = I - D^-1/2 A D^-1/2, scale by 2/lambda_max (=1),
    # subtract 1 on self loops -> diagonal becomes 0, off-diagonal = -D^-1/2 A D^-1/2.
    row, col = edge_index[0], edge_index[1]
    ew = jnp.where(row == col, 0.0, edge_weight)
    deg = jax.ops.segment_sum(ew, row, num_segments=N)
    safe = jnp.where(deg > 0, deg, 1.0)
    dis = jnp.where(deg > 0, jax.lax.rsqrt(safe), 0.0)
    return -dis[row] * ew * dis[col]


def _cheb_conv(h, src, dst, norm, W0, W1, b):
    # K=2 Chebyshev conv: Tx0 = h, Tx1 = L_hat h (via gather/scatter-add)
    Tx1 = jax.ops.segment_sum(norm[:, None] * h[src], dst, num_segments=N)
    return h @ W0 + Tx1 @ W1 + b


def setup_inputs(seed: int = 0) -> dict:
    key = jax.random.key(seed)
    k = jax.random.split(key, 24)
    inp = {}
    inp["x"] = jax.random.normal(k[0], (N, F_IN), dtype=jnp.float32)
    inp["edge_index"] = jax.random.randint(k[1], (2, E), 0, N, dtype=jnp.int32)
    inp["edge_weight"] = jax.random.uniform(k[2], (E,), dtype=jnp.float32)

    def p(i, shape):
        return jax.random.normal(k[i], shape, dtype=jnp.float32) * 0.05

    names = ["xz", "hz", "xr", "hr", "xh", "hh"]
    i = 3
    for n in names:
        din = F_IN if n[0] == "x" else HID
        inp["W0_" + n] = p(i, (din, HID)); i += 1
        inp["W1_" + n] = p(i, (din, HID)); i += 1
        inp["b_" + n] = p(i, (HID,)); i += 1
    inp["Wl"] = p(21, (HID, OUT))
    inp["bl"] = p(22, (OUT,))
    return inp


def reference(x, edge_index, edge_weight,
              W0_xz, W1_xz, b_xz, W0_hz, W1_hz, b_hz,
              W0_xr, W1_xr, b_xr, W0_hr, W1_hr, b_hr,
              W0_xh, W1_xh, b_xh, W0_hh, W1_hh, b_hh,
              Wl, bl):
    norm = _cheb_norm(edge_index, edge_weight)
    src, dst = edge_index[0], edge_index[1]
    # GConvGRU with H initialized to zeros (single timestep call)
    H = jnp.zeros((N, HID), dtype=x.dtype)
    Z = jax.nn.sigmoid(_cheb_conv(x, src, dst, norm, W0_xz, W1_xz, b_xz)
                       + _cheb_conv(H, src, dst, norm, W0_hz, W1_hz, b_hz))
    R = jax.nn.sigmoid(_cheb_conv(x, src, dst, norm, W0_xr, W1_xr, b_xr)
                       + _cheb_conv(H, src, dst, norm, W0_hr, W1_hr, b_hr))
    Ht = jnp.tanh(_cheb_conv(x, src, dst, norm, W0_xh, W1_xh, b_xh)
                  + _cheb_conv(H * R, src, dst, norm, W0_hh, W1_hh, b_hh))
    H = Z * H + (1.0 - Z) * Ht
    h = jax.nn.relu(H)
    return h @ Wl + bl

if __name__ == "__main__":
    import jax
    _d = setup_inputs()
    print(jax.jit(kernel)(*tuple(_d.values())))

</pallas_src>

<mosaic_0001>
#map = affine_map<(d0, d1) -> (0, 0)>
#map1 = affine_map<(d0, d1) -> (0, 0, 0)>
module attributes {stable_mosaic.version = 14 : i64} {
  func.func @_sc_body(%arg0: i32, %arg1: i32, %arg2: memref<2560x128xi32, #tpu.memory_space<hbm>>, %arg3: memref<2560x128xi32, #tpu.memory_space<hbm>>, %arg4: memref<2560x128xf32, #tpu.memory_space<hbm>>, %arg5: memref<10000x64xf32, #tpu.memory_space<hbm>>, %arg6: memref<10000x64xf32, #tpu.memory_space<hbm>>, %arg7: memref<2x10240x64xf32, #tpu.memory_space<hbm>>, %arg8: memref<160x128xi32, #tpu.memory_space<vmem>>, %arg9: memref<160x128xi32, #tpu.memory_space<vmem>>, %arg10: memref<160x128xf32, #tpu.memory_space<vmem>>, %arg11: memref<10240xf32, #tpu.memory_space<vmem>>, %arg12: memref<128x64xf32, #tpu.memory_space<vmem>>, %arg13: memref<10240xf32, #tpu.memory_space<vmem_shared>>, %arg14: memref<10240x64xf32, #tpu.memory_space<vmem_shared>>, %arg15: memref<!tpu.dma_semaphore, #tpu.memory_space<semaphore_mem>>) attributes {dimension_semantics = [#tpu.dimension_semantics<core_parallel>, #tpu.dimension_semantics<subcore_parallel>], iteration_bounds = array<i64: 2, 16>, scalar_prefetch = 0 : i64, scratch_operands = 8 : i64, tpu.core_type = #tpu.core_type<sc_vector_subcore>, window_params = [{transform_indices = #map}, {transform_indices = #map}, {transform_indices = #map}, {transform_indices = #map}, {transform_indices = #map}, {transform_indices = #map1}]} {
    %scan3A = arith.constant 0 : i32
    %scan3A_0 = arith.constant 0 : i32
    %scan3A_1 = arith.constant 128 : i32
    %scan3A_2 = arith.addi %scan3A_0, %scan3A_1 : i32
    %scan3A_3 = arith.constant 1 : i32
    %scan3A_4 = scf.for %scan3A_129 = %scan3A_0 to %scan3A_2 step %scan3A_3 iter_args(%scan3A_130 = %scan3A) -> (i32)  : i32 {
      %broadcast_in_dim3A = arith.constant 0.000000e+00 : f32
      %broadcast_in_dim3A_131 = vector.broadcast %broadcast_in_dim3A : f32 to vector<16xf32>
      %swap3A = arith.index_cast %scan3A_129 : i32 to index
      %swap3A_132 = arith.constant 0 : index
      %swap3A_133 = tpu.vector_load %arg12[%swap3A, %swap3A_132] {strides = array<i32>} : memref<128x64xf32, #tpu.memory_space<vmem>>, vector<16xf32>,
      tpu.vector_store %arg12[%swap3A, %swap3A_132], %broadcast_in_dim3A_131 {strides = array<i32>} : memref<128x64xf32, #tpu.memory_space<vmem>>, vector<16xf32>,
      %broadcast_in_dim3A_134 = arith.constant 0.000000e+00 : f32
      %broadcast_in_dim3A_135 = vector.broadcast %broadcast_in_dim3A_134 : f32 to vector<16xf32>
      %swap3A_136 = arith.index_cast %scan3A_129 : i32 to index
      %swap3A_137 = arith.constant 16 : index
      %swap3A_138 = tpu.vector_load %arg12[%swap3A_136, %swap3A_137] {strides = array<i32>} : memref<128x64xf32, #tpu.memory_space<vmem>>, vector<16xf32>,
      tpu.vector_store %arg12[%swap3A_136, %swap3A_137], %broadcast_in_dim3A_135 {strides = array<i32>} : memref<128x64xf32, #tpu.memory_space<vmem>>, vector<16xf32>,
      %broadcast_in_dim3A_139 = arith.constant 0.000000e+00 : f32
      %broadcast_in_dim3A_140 = vector.broadcast %broadcast_in_dim3A_139 : f32 to vector<16xf32>
      %swap3A_141 = arith.index_cast %scan3A_129 : i32 to index
      %swap3A_142 = arith.constant 32 : index
      %swap3A_143 = tpu.vector_load %arg12[%swap3A_141, %swap3A_142] {strides = array<i32>} : memref<128x64xf32, #tpu.memory_space<vmem>>, vector<16xf32>,
      tpu.vector_store %arg12[%swap3A_141, %swap3A_142], %broadcast_in_dim3A_140 {strides = array<i32>} : memref<128x64xf32, #tpu.memory_space<vmem>>, vector<16xf32>,
      %broadcast_in_dim3A_144 = arith.constant 0.000000e+00 : f32
      %broadcast_in_dim3A_145 = vector.broadcast %broadcast_in_dim3A_144 : f32 to vector<16xf32>
      %swap3A_146 = arith.index_cast %scan3A_129 : i32 to index
      %swap3A_147 = arith.constant 48 : index
      %swap3A_148 = tpu.vector_load %arg12[%swap3A_146, %swap3A_147] {strides = array<i32>} : memref<128x64xf32, #tpu.memory_space<vmem>>, vector<16xf32>,
      tpu.vector_store %arg12[%swap3A_146, %swap3A_147], %broadcast_in_dim3A_145 {strides = array<i32>} : memref<128x64xf32, #tpu.memory_space<vmem>>, vector<16xf32>,
      %scan3A_149 = arith.constant 0 : i32
      scf.yield %scan3A_149 : i32
    }
    %scan3A_5 = arith.constant 128 : i32
    %mul3A = arith.constant 640 : i32
    %mul3A_6 = arith.muli %arg1, %mul3A : i32
    %add3A = arith.constant 0 : i32
    %add3A_7 = arith.addi %mul3A_6, %add3A : i32
    "tpu.region"() ({
      %run_scoped3A_129 = tpu.sem_alloc : memref<!tpu.dma_semaphore, #tpu.memory_space<semaphore_mem>>
      %dma_start3A = arith.constant 0 : i32
      %dma_start3A_130 = tpu.memref_slice %arg14[%add3A_7, %dma_start3A] : memref<10240x64xf32, #tpu.memory_space<vmem_shared>> -> memref<128x64xf32, #tpu.memory_space<vmem_shared>>
      %dma_start3A_131 = arith.constant 0 : i32
      %dma_start3A_132 = tpu.memref_slice %arg14[%add3A_7, %dma_start3A_131] : memref<10240x64xf32, #tpu.memory_space<vmem_shared>> -> memref<128x64xf32, #tpu.memory_space<vmem_shared>>
      tpu.enqueue_dma source(%arg12 : memref<128x64xf32, #tpu.memory_space<vmem>>) target(%dma_start3A_132 : memref<128x64xf32, #tpu.memory_space<vmem_shared>>) target_semaphore(%run_scoped3A_129 : memref<!tpu.dma_semaphore, #tpu.memory_space<semaphore_mem>>)
      %dma_wait3A = arith.constant 0 : i32
      %dma_wait3A_133 = tpu.memref_slice %arg14[%add3A_7, %dma_wait3A] : memref<10240x64xf32, #tpu.memory_space<vmem_shared>> -> memref<128x64xf32, #tpu.memory_space<vmem_shared>>
      %dma_wait3A_134 = arith.constant 0 : i32
      %dma_wait3A_135 = tpu.memref_slice %arg14[%add3A_7, %dma_wait3A_134] : memref<10240x64xf32, #tpu.memory_space<vmem_shared>> -> memref<128x64xf32, #tpu.memory_space<vmem_shared>>
      tpu.wait_dma2 semaphore(%run_scoped3A_129 : memref<!tpu.dma_semaphore, #tpu.memory_space<semaphore_mem>>) src(%arg12 : memref<128x64xf32, #tpu.memory_space<vmem>>) dst(%dma_wait3A_135 : memref<128x64xf32, #tpu.memory_space<vmem_shared>>)
      tpu.yield
    }) : () -> ()
    %mul3A_8 = arith.constant 640 : i32
    %mul3A_9 = arith.muli %arg1, %mul3A_8 : i32
    %add3A_10 = arith.constant 128 : i32
    %add3A_11 = arith.addi %mul3A_9, %add3A_10 : i32
    "tpu.region"() ({
      %run_scoped3A_129 = tpu.sem_alloc : memref<!tpu.dma_semaphore, #tpu.memory_space<semaphore_mem>>
      %dma_start3A = arith.constant 0 : i32
      %dma_start3A_130 = tpu.memref_slice %arg14[%add3A_11, %dma_start3A] : memref<10240x64xf32, #tpu.memory_space<vmem_shared>> -> memref<128x64xf32, #tpu.memory_space<vmem_shared>>
      %dma_start3A_131 = arith.constant 0 : i32
      %dma_start3A_132 = tpu.memref_slice %arg14[%add3A_11, %dma_start3A_131] : memref<10240x64xf32, #tpu.memory_space<vmem_shared>> -> memref<128x64xf32, #tpu.memory_space<vmem_shared>>
      tpu.enqueue_dma source(%arg12 : memref<128x64xf32, #tpu.memory_space<vmem>>) target(%dma_start3A_132 : memref<128x64xf32, #tpu.memory_space<vmem_shared>>) target_semaphore(%run_scoped3A_129 : memref<!tpu.dma_semaphore, #tpu.memory_space<semaphore_mem>>)
      %dma_wait3A = arith.constant 0 : i32
      %dma_wait3A_133 = tpu.memref_slice %arg14[%add3A_11, %dma_wait3A] : memref<10240x64xf32, #tpu.memory_space<vmem_shared>> -> memref<128x64xf32, #tpu.memory_space<vmem_shared>>
      %dma_wait3A_134 = arith.constant 0 : i32
      %dma_wait3A_135 = tpu.memref_slice %arg14[%add3A_11, %dma_wait3A_134] : memref<10240x64xf32, #tpu.memory_space<vmem_shared>> -> memref<128x64xf32, #tpu.memory_space<vmem_shared>>
      tpu.wait_dma2 semaphore(%run_scoped3A_129 : memref<!tpu.dma_semaphore, #tpu.memory_space<semaphore_mem>>) src(%arg12 : memref<128x64xf32, #tpu.memory_space<vmem>>) dst(%dma_wait3A_135 : memref<128x64xf32, #tpu.memory_space<vmem_shared>>)
      tpu.yield
    }) : () -> ()
    %mul3A_12 = arith.constant 640 : i32
    %mul3A_13 = arith.muli %arg1, %mul3A_12 : i32
    %add3A_14 = arith.constant 256 : i32
    %add3A_15 = arith.addi %mul3A_13, %add3A_14 : i32
    "tpu.region"() ({
      %run_scoped3A_129 = tpu.sem_alloc : memref<!tpu.dma_semaphore, #tpu.memory_space<semaphore_mem>>
      %dma_start3A = arith.constant 0 : i32
      %dma_start3A_130 = tpu.memref_slice %arg14[%add3A_15, %dma_start3A] : memref<10240x64xf32, #tpu.memory_space<vmem_shared>> -> memref<128x64xf32, #tpu.memory_space<vmem_shared>>
      %dma_start3A_131 = arith.constant 0 : i32
      %dma_start3A_132 = tpu.memref_slice %arg14[%add3A_15, %dma_start3A_131] : memref<10240x64xf32, #tpu.memory_space<vmem_shared>> -> memref<128x64xf32, #tpu.memory_space<vmem_shared>>
      tpu.enqueue_dma source(%arg12 : memref<128x64xf32, #tpu.memory_space<vmem>>) target(%dma_start3A_132 : memref<128x64xf32, #tpu.memory_space<vmem_shared>>) target_semaphore(%run_scoped3A_129 : memref<!tpu.dma_semaphore, #tpu.memory_space<semaphore_mem>>)
      %dma_wait3A = arith.constant 0 : i32
      %dma_wait3A_133 = tpu.memref_slice %arg14[%add3A_15, %dma_wait3A] : memref<10240x64xf32, #tpu.memory_space<vmem_shared>> -> memref<128x64xf32, #tpu.memory_space<vmem_shared>>
      %dma_wait3A_134 = arith.constant 0 : i32
      %dma_wait3A_135 = tpu.memref_slice %arg14[%add3A_15, %dma_wait3A_134] : memref<10240x64xf32, #tpu.memory_space<vmem_shared>> -> memref<128x64xf32, #tpu.memory_space<vmem_shared>>
      tpu.wait_dma2 semaphore(%run_scoped3A_129 : memref<!tpu.dma_semaphore, #tpu.memory_space<semaphore_mem>>) src(%arg12 : memref<128x64xf32, #tpu.memory_space<vmem>>) dst(%dma_wait3A_135 : memref<128x64xf32, #tpu.memory_space<vmem_shared>>)
      tpu.yield
    }) : () -> ()
    %mul3A_16 = arith.constant 640 : i32
    %mul3A_17 = arith.muli %arg1, %mul3A_16 : i32
    %add3A_18 = arith.constant 384 : i32
    %add3A_19 = arith.addi %mul3A_17, %add3A_18 : i32
    "tpu.region"() ({
      %run_scoped3A_129 = tpu.sem_alloc : memref<!tpu.dma_semaphore, #tpu.memory_space<semaphore_mem>>
      %dma_start3A = arith.constant 0 : i32
      %dma_start3A_130 = tpu.memref_slice %arg14[%add3A_19, %dma_start3A] : memref<10240x64xf32, #tpu.memory_space<vmem_shared>> -> memref<128x64xf32, #tpu.memory_space<vmem_shared>>
      %dma_start3A_131 = arith.constant 0 : i32
      %dma_start3A_132 = tpu.memref_slice %arg14[%add3A_19, %dma_start3A_131] : memref<10240x64xf32, #tpu.memory_space<vmem_shared>> -> memref<128x64xf32, #tpu.memory_space<vmem_shared>>
      tpu.enqueue_dma source(%arg12 : memref<128x64xf32, #tpu.memory_space<vmem>>) target(%dma_start3A_132 : memref<128x64xf32, #tpu.memory_space<vmem_shared>>) target_semaphore(%run_scoped3A_129 : memref<!tpu.dma_semaphore, #tpu.memory_space<semaphore_mem>>)
      %dma_wait3A = arith.constant 0 : i32
      %dma_wait3A_133 = tpu.memref_slice %arg14[%add3A_19, %dma_wait3A] : memref<10240x64xf32, #tpu.memory_space<vmem_shared>> -> memref<128x64xf32, #tpu.memory_space<vmem_shared>>
      %dma_wait3A_134 = arith.constant 0 : i32
      %dma_wait3A_135 = tpu.memref_slice %arg14[%add3A_19, %dma_wait3A_134] : memref<10240x64xf32, #tpu.memory_space<vmem_shared>> -> memref<128x64xf32, #tpu.memory_space<vmem_shared>>
      tpu.wait_dma2 semaphore(%run_scoped3A_129 : memref<!tpu.dma_semaphore, #tpu.memory_space<semaphore_mem>>) src(%arg12 : memref<128x64xf32, #tpu.memory_space<vmem>>) dst(%dma_wait3A_135 : memref<128x64xf32, #tpu.memory_space<vmem_shared>>)
      tpu.yield
    }) : () -> ()
    %mul3A_20 = arith.constant 640 : i32
    %mul3A_21 = arith.muli %arg1, %mul3A_20 : i32
    %add3A_22 = arith.constant 512 : i32
    %add3A_23 = arith.addi %mul3A_21, %add3A_22 : i32
    "tpu.region"() ({
      %run_scoped3A_129 = tpu.sem_alloc : memref<!tpu.dma_semaphore, #tpu.memory_space<semaphore_mem>>
      %dma_start3A = arith.constant 0 : i32
      %dma_start3A_130 = tpu.memref_slice %arg14[%add3A_23, %dma_start3A] : memref<10240x64xf32, #tpu.memory_space<vmem_shared>> -> memref<128x64xf32, #tpu.memory_space<vmem_shared>>
      %dma_start3A_131 = arith.constant 0 : i32
      %dma_start3A_132 = tpu.memref_slice %arg14[%add3A_23, %dma_start3A_131] : memref<10240x64xf32, #tpu.memory_space<vmem_shared>> -> memref<128x64xf32, #tpu.memory_space<vmem_shared>>
      tpu.enqueue_dma source(%arg12 : memref<128x64xf32, #tpu.memory_space<vmem>>) target(%dma_start3A_132 : memref<128x64xf32, #tpu.memory_space<vmem_shared>>) target_semaphore(%run_scoped3A_129 : memref<!tpu.dma_semaphore, #tpu.memory_space<semaphore_mem>>)
      %dma_wait3A = arith.constant 0 : i32
      %dma_wait3A_133 = tpu.memref_slice %arg14[%add3A_23, %dma_wait3A] : memref<10240x64xf32, #tpu.memory_space<vmem_shared>> -> memref<128x64xf32, #tpu.memory_space<vmem_shared>>
      %dma_wait3A_134 = arith.constant 0 : i32
      %dma_wait3A_135 = tpu.memref_slice %arg14[%add3A_23, %dma_wait3A_134] : memref<10240x64xf32, #tpu.memory_space<vmem_shared>> -> memref<128x64xf32, #tpu.memory_space<vmem_shared>>
      tpu.wait_dma2 semaphore(%run_scoped3A_129 : memref<!tpu.dma_semaphore, #tpu.memory_space<semaphore_mem>>) src(%arg12 : memref<128x64xf32, #tpu.memory_space<vmem>>) dst(%dma_wait3A_135 : memref<128x64xf32, #tpu.memory_space<vmem_shared>>)
      tpu.yield
    }) : () -> ()
    %mul3A_24 = arith.constant 640 : i32
    %mul3A_25 = arith.muli %arg1, %mul3A_24 : i32
    %add3A_26 = arith.constant 0 : i32
    %add3A_27 = arith.addi %mul3A_25, %add3A_26 : i32
    %run_scoped3A = arith.constant 0 : i32
    "tpu.region"() ({
      %run_scoped3A_129 = tpu.sem_alloc : memref<!tpu.dma_semaphore, #tpu.memory_space<semaphore_mem>>
      %dma_start3A = arith.constant 0 : i32
      %dma_start3A_130 = tpu.memref_slice %arg12[%run_scoped3A, %dma_start3A] : memref<128x64xf32, #tpu.memory_space<vmem>> -> memref<1x64xf32, #tpu.memory_space<vmem>>
      %dma_start3A_131 = tpu.memref_squeeze %dma_start3A_130 : memref<1x64xf32, #tpu.memory_space<vmem>> -> memref<64xf32, #tpu.memory_space<vmem>>
      %dma_start3A_132 = tpu.memref_slice %arg13[%add3A_27] : memref<10240xf32, #tpu.memory_space<vmem_shared>> -> memref<64xf32, #tpu.memory_space<vmem_shared>>
      %dma_start3A_133 = tpu.memref_slice %arg13[%add3A_27] : memref<10240xf32, #tpu.memory_space<vmem_shared>> -> memref<64xf32, #tpu.memory_space<vmem_shared>>
      %dma_start3A_134 = arith.constant 0 : i32
      %dma_start3A_135 = tpu.memref_slice %arg12[%run_scoped3A, %dma_start3A_134] : memref<128x64xf32, #tpu.memory_space<vmem>> -> memref<1x64xf32, #tpu.memory_space<vmem>>
      %dma_start3A_136 = tpu.memref_squeeze %dma_start3A_135 : memref<1x64xf32, #tpu.memory_space<vmem>> -> memref<64xf32, #tpu.memory_space<vmem>>
      tpu.enqueue_dma source(%dma_start3A_136 : memref<64xf32, #tpu.memory_space<vmem>>) target(%dma_start3A_133 : memref<64xf32, #tpu.memory_space<vmem_shared>>) target_semaphore(%run_scoped3A_129 : memref<!tpu.dma_semaphore, #tpu.memory_space<semaphore_mem>>)
      %dma_wait3A = arith.constant 0 : i32
      %dma_wait3A_137 = tpu.memref_slice %arg12[%run_scoped3A, %dma_wait3A] : memref<128x64xf32, #tpu.memory_space<vmem>> -> memref<1x64xf32, #tpu.memory_space<vmem>>
      %dma_wait3A_138 = tpu.memref_squeeze %dma_wait3A_137 : memref<1x64xf32, #tpu.memory_space<vmem>> -> memref<64xf32, #tpu.memory_space<vmem>>
      %dma_wait3A_139 = tpu.memref_slice %arg13[%add3A_27] : memref<10240xf32, #tpu.memory_space<vmem_shared>> -> memref<64xf32, #tpu.memory_space<vmem_shared>>
      %dma_wait3A_140 = tpu.memref_slice %arg13[%add3A_27] : memref<10240xf32, #tpu.memory_space<vmem_shared>> -> memref<64xf32, #tpu.memory_space<vmem_shared>>
      %dma_wait3A_141 = arith.constant 0 : i32
      %dma_wait3A_142 = tpu.memref_slice %arg12[%run_scoped3A, %dma_wait3A_141] : memref<128x64xf32, #tpu.memory_space<vmem>> -> memref<1x64xf32, #tpu.memory_space<vmem>>
      %dma_wait3A_143 = tpu.memref_squeeze %dma_wait3A_142 : memref<1x64xf32, #tpu.memory_space<vmem>> -> memref<64xf32, #tpu.memory_space<vmem>>
      tpu.wait_dma2 semaphore(%run_scoped3A_129 : memref<!tpu.dma_semaphore, #tpu.memory_space<semaphore_mem>>) src(%dma_wait3A_143 : memref<64xf32, #tpu.memory_space<vmem>>) dst(%dma_wait3A_140 : memref<64xf32, #tpu.memory_space<vmem_shared>>)
      tpu.yield
    }) : () -> ()
    %mul3A_28 = arith.constant 640 : i32
    %mul3A_29 = arith.muli %arg1, %mul3A_28 : i32
    %add3A_30 = arith.constant 64 : i32
    %add3A_31 = arith.addi %mul3A_29, %add3A_30 : i32
    %run_scoped3A_32 = arith.constant 0 : i32
    "tpu.region"() ({
      %run_scoped3A_129 = tpu.sem_alloc : memref<!tpu.dma_semaphore, #tpu.memory_space<semaphore_mem>>
      %dma_start3A = arith.constant 0 : i32
      %dma_start3A_130 = tpu.memref_slice %arg12[%run_scoped3A_32, %dma_start3A] : memref<128x64xf32, #tpu.memory_space<vmem>> -> memref<1x64xf32, #tpu.memory_space<vmem>>
      %dma_start3A_131 = tpu.memref_squeeze %dma_start3A_130 : memref<1x64xf32, #tpu.memory_space<vmem>> -> memref<64xf32, #tpu.memory_space<vmem>>
      %dma_start3A_132 = tpu.memref_slice %arg13[%add3A_31] : memref<10240xf32, #tpu.memory_space<vmem_shared>> -> memref<64xf32, #tpu.memory_space<vmem_shared>>
      %dma_start3A_133 = tpu.memref_slice %arg13[%add3A_31] : memref<10240xf32, #tpu.memory_space<vmem_shared>> -> memref<64xf32, #tpu.memory_space<vmem_shared>>
      %dma_start3A_134 = arith.constant 0 : i32
      %dma_start3A_135 = tpu.memref_slice %arg12[%run_scoped3A_32, %dma_start3A_134] : memref<128x64xf32, #tpu.memory_space<vmem>> -> memref<1x64xf32, #tpu.memory_space<vmem>>
      %dma_start3A_136 = tpu.memref_squeeze %dma_start3A_135 : memref<1x64xf32, #tpu.memory_space<vmem>> -> memref<64xf32, #tpu.memory_space<vmem>>
      tpu.enqueue_dma source(%dma_start3A_136 : memref<64xf32, #tpu.memory_space<vmem>>) target(%dma_start3A_133 : memref<64xf32, #tpu.memory_space<vmem_shared>>) target_semaphore(%run_scoped3A_129 : memref<!tpu.dma_semaphore, #tpu.memory_space<semaphore_mem>>)
      %dma_wait3A = arith.constant 0 : i32
      %dma_wait3A_137 = tpu.memref_slice %arg12[%run_scoped3A_32, %dma_wait3A] : memref<128x64xf32, #tpu.memory_space<vmem>> -> memref<1x64xf32, #tpu.memory_space<vmem>>
      %dma_wait3A_138 = tpu.memref_squeeze %dma_wait3A_137 : memref<1x64xf32, #tpu.memory_space<vmem>> -> memref<64xf32, #tpu.memory_space<vmem>>
      %dma_wait3A_139 = tpu.memref_slice %arg13[%add3A_31] : memref<10240xf32, #tpu.memory_space<vmem_shared>> -> memref<64xf32, #tpu.memory_space<vmem_shared>>
      %dma_wait3A_140 = tpu.memref_slice %arg13[%add3A_31] : memref<10240xf32, #tpu.memory_space<vmem_shared>> -> memref<64xf32, #tpu.memory_space<vmem_shared>>
      %dma_wait3A_141 = arith.constant 0 : i32
      %dma_wait3A_142 = tpu.memref_slice %arg12[%run_scoped3A_32, %dma_wait3A_141] : memref<128x64xf32, #tpu.memory_space<vmem>> -> memref<1x64xf32, #tpu.memory_space<vmem>>
      %dma_wait3A_143 = tpu.memref_squeeze %dma_wait3A_142 : memref<1x64xf32, #tpu.memory_space<vmem>> -> memref<64xf32, #tpu.memory_space<vmem>>
      tpu.wait_dma2 semaphore(%run_scoped3A_129 : memref<!tpu.dma_semaphore, #tpu.memory_space<semaphore_mem>>) src(%dma_wait3A_143 : memref<64xf32, #tpu.memory_space<vmem>>) dst(%dma_wait3A_140 : memref<64xf32, #tpu.memory_space<vmem_shared>>)
      tpu.yield
    }) : () -> ()
    %mul3A_33 = arith.constant 640 : i32
    %mul3A_34 = arith.muli %arg1, %mul3A_33 : i32
    %add3A_35 = arith.constant 128 : i32
    %add3A_36 = arith.addi %mul3A_34, %add3A_35 : i32
    %run_scoped3A_37 = arith.constant 0 : i32
    "tpu.region"() ({
      %run_scoped3A_129 = tpu.sem_alloc : memref<!tpu.dma_semaphore, #tpu.memory_space<semaphore_mem>>
      %dma_start3A = arith.constant 0 : i32
      %dma_start3A_130 = tpu.memref_slice %arg12[%run_scoped3A_37, %dma_start3A] : memref<128x64xf32, #tpu.memory_space<vmem>> -> memref<1x64xf32, #tpu.memory_space<vmem>>
      %dma_start3A_131 = tpu.memref_squeeze %dma_start3A_130 : memref<1x64xf32, #tpu.memory_space<vmem>> -> memref<64xf32, #tpu.memory_space<vmem>>
      %dma_start3A_132 = tpu.memref_slice %arg13[%add3A_36] : memref<10240xf32, #tpu.memory_space<vmem_shared>> -> memref<64xf32, #tpu.memory_space<vmem_shared>>
      %dma_start3A_133 = tpu.memref_slice %arg13[%add3A_36] : memref<10240xf32, #tpu.memory_space<vmem_shared>> -> memref<64xf32, #tpu.memory_space<vmem_shared>>
      %dma_start3A_134 = arith.constant 0 : i32
      %dma_start3A_135 = tpu.memref_slice %arg12[%run_scoped3A_37, %dma_start3A_134] : memref<128x64xf32, #tpu.memory_space<vmem>> -> memref<1x64xf32, #tpu.memory_space<vmem>>
      %dma_start3A_136 = tpu.memref_squeeze %dma_start3A_135 : memref<1x64xf32, #tpu.memory_space<vmem>> -> memref<64xf32, #tpu.memory_space<vmem>>
      tpu.enqueue_dma source(%dma_start3A_136 : memref<64xf32, #tpu.memory_space<vmem>>) target(%dma_start3A_133 : memref<64xf32, #tpu.memory_space<vmem_shared>>) target_semaphore(%run_scoped3A_129 : memref<!tpu.dma_semaphore, #tpu.memory_space<semaphore_mem>>)
      %dma_wait3A = arith.constant 0 : i32
      %dma_wait3A_137 = tpu.memref_slice %arg12[%run_scoped3A_37, %dma_wait3A] : memref<128x64xf32, #tpu.memory_space<vmem>> -> memref<1x64xf32, #tpu.memory_space<vmem>>
      %dma_wait3A_138 = tpu.memref_squeeze %dma_wait3A_137 : memref<1x64xf32, #tpu.memory_space<vmem>> -> memref<64xf32, #tpu.memory_space<vmem>>
      %dma_wait3A_139 = tpu.memref_slice %arg13[%add3A_36] : memref<10240xf32, #tpu.memory_space<vmem_shared>> -> memref<64xf32, #tpu.memory_space<vmem_shared>>
      %dma_wait3A_140 = tpu.memref_slice %arg13[%add3A_36] : memref<10240xf32, #tpu.memory_space<vmem_shared>> -> memref<64xf32, #tpu.memory_space<vmem_shared>>
      %dma_wait3A_141 = arith.constant 0 : i32
      %dma_wait3A_142 = tpu.memref_slice %arg12[%run_scoped3A_37, %dma_wait3A_141] : memref<128x64xf32, #tpu.memory_space<vmem>> -> memref<1x64xf32, #tpu.memory_space<vmem>>
      %dma_wait3A_143 = tpu.memref_squeeze %dma_wait3A_142 : memref<1x64xf32, #tpu.memory_space<vmem>> -> memref<64xf32, #tpu.memory_space<vmem>>
      tpu.wait_dma2 semaphore(%run_scoped3A_129 : memref<!tpu.dma_semaphore, #tpu.memory_space<semaphore_mem>>) src(%dma_wait3A_143 : memref<64xf32, #tpu.memory_space<vmem>>) dst(%dma_wait3A_140 : memref<64xf32, #tpu.memory_space<vmem_shared>>)
      tpu.yield
    }) : () -> ()
    %mul3A_38 = arith.constant 640 : i32
    %mul3A_39 = arith.muli %arg1, %mul3A_38 : i32
    %add3A_40 = arith.constant 192 : i32
    %add3A_41 = arith.addi %mul3A_39, %add3A_40 : i32
    %run_scoped3A_42 = arith.constant 0 : i32
    "tpu.region"() ({
      %run_scoped3A_129 = tpu.sem_alloc : memref<!tpu.dma_semaphore, #tpu.memory_space<semaphore_mem>>
      %dma_start3A = arith.constant 0 : i32
      %dma_start3A_130 = tpu.memref_slice %arg12[%run_scoped3A_42, %dma_start3A] : memref<128x64xf32, #tpu.memory_space<vmem>> -> memref<1x64xf32, #tpu.memory_space<vmem>>
      %dma_start3A_131 = tpu.memref_squeeze %dma_start3A_130 : memref<1x64xf32, #tpu.memory_space<vmem>> -> memref<64xf32, #tpu.memory_space<vmem>>
      %dma_start3A_132 = tpu.memref_slice %arg13[%add3A_41] : memref<10240xf32, #tpu.memory_space<vmem_shared>> -> memref<64xf32, #tpu.memory_space<vmem_shared>>
      %dma_start3A_133 = tpu.memref_slice %arg13[%add3A_41] : memref<10240xf32, #tpu.memory_space<vmem_shared>> -> memref<64xf32, #tpu.memory_space<vmem_shared>>
      %dma_start3A_134 = arith.constant 0 : i32
      %dma_start3A_135 = tpu.memref_slice %arg12[%run_scoped3A_42, %dma_start3A_134] : memref<128x64xf32, #tpu.memory_space<vmem>> -> memref<1x64xf32, #tpu.memory_space<vmem>>
      %dma_start3A_136 = tpu.memref_squeeze %dma_start3A_135 : memref<1x64xf32, #tpu.memory_space<vmem>> -> memref<64xf32, #tpu.memory_space<vmem>>
      tpu.enqueue_dma source(%dma_start3A_136 : memref<64xf32, #tpu.memory_space<vmem>>) target(%dma_start3A_133 : memref<64xf32, #tpu.memory_space<vmem_shared>>) target_semaphore(%run_scoped3A_129 : memref<!tpu.dma_semaphore, #tpu.memory_space<semaphore_mem>>)
      %dma_wait3A = arith.constant 0 : i32
      %dma_wait3A_137 = tpu.memref_slice %arg12[%run_scoped3A_42, %dma_wait3A] : memref<128x64xf32, #tpu.memory_space<vmem>> -> memref<1x64xf32, #tpu.memory_space<vmem>>
      %dma_wait3A_138 = tpu.memref_squeeze %dma_wait3A_137 : memref<1x64xf32, #tpu.memory_space<vmem>> -> memref<64xf32, #tpu.memory_space<vmem>>
      %dma_wait3A_139 = tpu.memref_slice %arg13[%add3A_41] : memref<10240xf32, #tpu.memory_space<vmem_shared>> -> memref<64xf32, #tpu.memory_space<vmem_shared>>
      %dma_wait3A_140 = tpu.memref_slice %arg13[%add3A_41] : memref<10240xf32, #tpu.memory_space<vmem_shared>> -> memref<64xf32, #tpu.memory_space<vmem_shared>>
      %dma_wait3A_141 = arith.constant 0 : i32
      %dma_wait3A_142 = tpu.memref_slice %arg12[%run_scoped3A_42, %dma_wait3A_141] : memref<128x64xf32, #tpu.memory_space<vmem>> -> memref<1x64xf32, #tpu.memory_space<vmem>>
      %dma_wait3A_143 = tpu.memref_squeeze %dma_wait3A_142 : memref<1x64xf32, #tpu.memory_space<vmem>> -> memref<64xf32, #tpu.memory_space<vmem>>
      tpu.wait_dma2 semaphore(%run_scoped3A_129 : memref<!tpu.dma_semaphore, #tpu.memory_space<semaphore_mem>>) src(%dma_wait3A_143 : memref<64xf32, #tpu.memory_space<vmem>>) dst(%dma_wait3A_140 : memref<64xf32, #tpu.memory_space<vmem_shared>>)
      tpu.yield
    }) : () -> ()
    %mul3A_43 = arith.constant 640 : i32
    %mul3A_44 = arith.muli %arg1, %mul3A_43 : i32
    %add3A_45 = arith.constant 256 : i32
    %add3A_46 = arith.addi %mul3A_44, %add3A_45 : i32
    %run_scoped3A_47 = arith.constant 0 : i32
    "tpu.region"() ({
      %run_scoped3A_129 = tpu.sem_alloc : memref<!tpu.dma_semaphore, #tpu.memory_space<semaphore_mem>>
      %dma_start3A = arith.constant 0 : i32
      %dma_start3A_130 = tpu.memref_slice %arg12[%run_scoped3A_47, %dma_start3A] : memref<128x64xf32, #tpu.memory_space<vmem>> -> memref<1x64xf32, #tpu.memory_space<vmem>>
      %dma_start3A_131 = tpu.memref_squeeze %dma_start3A_130 : memref<1x64xf32, #tpu.memory_space<vmem>> -> memref<64xf32, #tpu.memory_space<vmem>>
      %dma_start3A_132 = tpu.memref_slice %arg13[%add3A_46] : memref<10240xf32, #tpu.memory_space<vmem_shared>> -> memref<64xf32, #tpu.memory_space<vmem_shared>>
      %dma_start3A_133 = tpu.memref_slice %arg13[%add3A_46] : memref<10240xf32, #tpu.memory_space<vmem_shared>> -> memref<64xf32, #tpu.memory_space<vmem_shared>>
      %dma_start3A_134 = arith.constant 0 : i32
      %dma_start3A_135 = tpu.memref_slice %arg12[%run_scoped3A_47, %dma_start3A_134] : memref<128x64xf32, #tpu.memory_space<vmem>> -> memref<1x64xf32, #tpu.memory_space<vmem>>
      %dma_start3A_136 = tpu.memref_squeeze %dma_start3A_135 : memref<1x64xf32, #tpu.memory_space<vmem>> -> memref<64xf32, #tpu.memory_space<vmem>>
      tpu.enqueue_dma source(%dma_start3A_136 : memref<64xf32, #tpu.memory_space<vmem>>) target(%dma_start3A_133 : memref<64xf32, #tpu.memory_space<vmem_shared>>) target_semaphore(%run_scoped3A_129 : memref<!tpu.dma_semaphore, #tpu.memory_space<semaphore_mem>>)
      %dma_wait3A = arith.constant 0 : i32
      %dma_wait3A_137 = tpu.memref_slice %arg12[%run_scoped3A_47, %dma_wait3A] : memref<128x64xf32, #tpu.memory_space<vmem>> -> memref<1x64xf32, #tpu.memory_space<vmem>>
      %dma_wait3A_138 = tpu.memref_squeeze %dma_wait3A_137 : memref<1x64xf32, #tpu.memory_space<vmem>> -> memref<64xf32, #tpu.memory_space<vmem>>
      %dma_wait3A_139 = tpu.memref_slice %arg13[%add3A_46] : memref<10240xf32, #tpu.memory_space<vmem_shared>> -> memref<64xf32, #tpu.memory_space<vmem_shared>>
      %dma_wait3A_140 = tpu.memref_slice %arg13[%add3A_46] : memref<10240xf32, #tpu.memory_space<vmem_shared>> -> memref<64xf32, #tpu.memory_space<vmem_shared>>
      %dma_wait3A_141 = arith.constant 0 : i32
      %dma_wait3A_142 = tpu.memref_slice %arg12[%run_scoped3A_47, %dma_wait3A_141] : memref<128x64xf32, #tpu.memory_space<vmem>> -> memref<1x64xf32, #tpu.memory_space<vmem>>
      %dma_wait3A_143 = tpu.memref_squeeze %dma_wait3A_142 : memref<1x64xf32, #tpu.memory_space<vmem>> -> memref<64xf32, #tpu.memory_space<vmem>>
      tpu.wait_dma2 semaphore(%run_scoped3A_129 : memref<!tpu.dma_semaphore, #tpu.memory_space<semaphore_mem>>) src(%dma_wait3A_143 : memref<64xf32, #tpu.memory_space<vmem>>) dst(%dma_wait3A_140 : memref<64xf32, #tpu.memory_space<vmem_shared>>)
      tpu.yield
    }) : () -> ()
    %mul3A_48 = arith.constant 640 : i32
    %mul3A_49 = arith.muli %arg1, %mul3A_48 : i32
    %add3A_50 = arith.constant 320 : i32
    %add3A_51 = arith.addi %mul3A_49, %add3A_50 : i32
    %run_scoped3A_52 = arith.constant 0 : i32
    "tpu.region"() ({
      %run_scoped3A_129 = tpu.sem_alloc : memref<!tpu.dma_semaphore, #tpu.memory_space<semaphore_mem>>
      %dma_start3A = arith.constant 0 : i32
      %dma_start3A_130 = tpu.memref_slice %arg12[%run_scoped3A_52, %dma_start3A] : memref<128x64xf32, #tpu.memory_space<vmem>> -> memref<1x64xf32, #tpu.memory_space<vmem>>
      %dma_start3A_131 = tpu.memref_squeeze %dma_start3A_130 : memref<1x64xf32, #tpu.memory_space<vmem>> -> memref<64xf32, #tpu.memory_space<vmem>>
      %dma_start3A_132 = tpu.memref_slice %arg13[%add3A_51] : memref<10240xf32, #tpu.memory_space<vmem_shared>> -> memref<64xf32, #tpu.memory_space<vmem_shared>>
      %dma_start3A_133 = tpu.memref_slice %arg13[%add3A_51] : memref<10240xf32, #tpu.memory_space<vmem_shared>> -> memref<64xf32, #tpu.memory_space<vmem_shared>>
      %dma_start3A_134 = arith.constant 0 : i32
      %dma_start3A_135 = tpu.memref_slice %arg12[%run_scoped3A_52, %dma_start3A_134] : memref<128x64xf32, #tpu.memory_space<vmem>> -> memref<1x64xf32, #tpu.memory_space<vmem>>
      %dma_start3A_136 = tpu.memref_squeeze %dma_start3A_135 : memref<1x64xf32, #tpu.memory_space<vmem>> -> memref<64xf32, #tpu.memory_space<vmem>>
      tpu.enqueue_dma source(%dma_start3A_136 : memref<64xf32, #tpu.memory_space<vmem>>) target(%dma_start3A_133 : memref<64xf32, #tpu.memory_space<vmem_shared>>) target_semaphore(%run_scoped3A_129 : memref<!tpu.dma_semaphore, #tpu.memory_space<semaphore_mem>>)
      %dma_wait3A = arith.constant 0 : i32
      %dma_wait3A_137 = tpu.memref_slice %arg12[%run_scoped3A_52, %dma_wait3A] : memref<128x64xf32, #tpu.memory_space<vmem>> -> memref<1x64xf32, #tpu.memory_space<vmem>>
      %dma_wait3A_138 = tpu.memref_squeeze %dma_wait3A_137 : memref<1x64xf32, #tpu.memory_space<vmem>> -> memref<64xf32, #tpu.memory_space<vmem>>
      %dma_wait3A_139 = tpu.memref_slice %arg13[%add3A_51] : memref<10240xf32, #tpu.memory_space<vmem_shared>> -> memref<64xf32, #tpu.memory_space<vmem_shared>>
      %dma_wait3A_140 = tpu.memref_slice %arg13[%add3A_51] : memref<10240xf32, #tpu.memory_space<vmem_shared>> -> memref<64xf32, #tpu.memory_space<vmem_shared>>
      %dma_wait3A_141 = arith.constant 0 : i32
      %dma_wait3A_142 = tpu.memref_slice %arg12[%run_scoped3A_52, %dma_wait3A_141] : memref<128x64xf32, #tpu.memory_space<vmem>> -> memref<1x64xf32, #tpu.memory_space<vmem>>
      %dma_wait3A_143 = tpu.memref_squeeze %dma_wait3A_142 : memref<1x64xf32, #tpu.memory_space<vmem>> -> memref<64xf32, #tpu.memory_space<vmem>>
      tpu.wait_dma2 semaphore(%run_scoped3A_129 : memref<!tpu.dma_semaphore, #tpu.memory_space<semaphore_mem>>) src(%dma_wait3A_143 : memref<64xf32, #tpu.memory_space<vmem>>) dst(%dma_wait3A_140 : memref<64xf32, #tpu.memory_space<vmem_shared>>)
      tpu.yield
    }) : () -> ()
    %mul3A_53 = arith.constant 640 : i32
    %mul3A_54 = arith.muli %arg1, %mul3A_53 : i32
    %add3A_55 = arith.constant 384 : i32
    %add3A_56 = arith.addi %mul3A_54, %add3A_55 : i32
    %run_scoped3A_57 = arith.constant 0 : i32
    "tpu.region"() ({
      %run_scoped3A_129 = tpu.sem_alloc : memref<!tpu.dma_semaphore, #tpu.memory_space<semaphore_mem>>
      %dma_start3A = arith.constant 0 : i32
      %dma_start3A_130 = tpu.memref_slice %arg12[%run_scoped3A_57, %dma_start3A] : memref<128x64xf32, #tpu.memory_space<vmem>> -> memref<1x64xf32, #tpu.memory_space<vmem>>
      %dma_start3A_131 = tpu.memref_squeeze %dma_start3A_130 : memref<1x64xf32, #tpu.memory_space<vmem>> -> memref<64xf32, #tpu.memory_space<vmem>>
      %dma_start3A_132 = tpu.memref_slice %arg13[%add3A_56] : memref<10240xf32, #tpu.memory_space<vmem_shared>> -> memref<64xf32, #tpu.memory_space<vmem_shared>>
      %dma_start3A_133 = tpu.memref_slice %arg13[%add3A_56] : memref<10240xf32, #tpu.memory_space<vmem_shared>> -> memref<64xf32, #tpu.memory_space<vmem_shared>>
      %dma_start3A_134 = arith.constant 0 : i32
      %dma_start3A_135 = tpu.memref_slice %arg12[%run_scoped3A_57, %dma_start3A_134] : memref<128x64xf32, #tpu.memory_space<vmem>> -> memref<1x64xf32, #tpu.memory_space<vmem>>
      %dma_start3A_136 = tpu.memref_squeeze %dma_start3A_135 : memref<1x64xf32, #tpu.memory_space<vmem>> -> memref<64xf32, #tpu.memory_space<vmem>>
      tpu.enqueue_dma source(%dma_start3A_136 : memref<64xf32, #tpu.memory_space<vmem>>) target(%dma_start3A_133 : memref<64xf32, #tpu.memory_space<vmem_shared>>) target_semaphore(%run_scoped3A_129 : memref<!tpu.dma_semaphore, #tpu.memory_space<semaphore_mem>>)
      %dma_wait3A = arith.constant 0 : i32
      %dma_wait3A_137 = tpu.memref_slice %arg12[%run_scoped3A_57, %dma_wait3A] : memref<128x64xf32, #tpu.memory_space<vmem>> -> memref<1x64xf32, #tpu.memory_space<vmem>>
      %dma_wait3A_138 = tpu.memref_squeeze %dma_wait3A_137 : memref<1x64xf32, #tpu.memory_space<vmem>> -> memref<64xf32, #tpu.memory_space<vmem>>
      %dma_wait3A_139 = tpu.memref_slice %arg13[%add3A_56] : memref<10240xf32, #tpu.memory_space<vmem_shared>> -> memref<64xf32, #tpu.memory_space<vmem_shared>>
      %dma_wait3A_140 = tpu.memref_slice %arg13[%add3A_56] : memref<10240xf32, #tpu.memory_space<vmem_shared>> -> memref<64xf32, #tpu.memory_space<vmem_shared>>
      %dma_wait3A_141 = arith.constant 0 : i32
      %dma_wait3A_142 = tpu.memref_slice %arg12[%run_scoped3A_57, %dma_wait3A_141] : memref<128x64xf32, #tpu.memory_space<vmem>> -> memref<1x64xf32, #tpu.memory_space<vmem>>
      %dma_wait3A_143 = tpu.memref_squeeze %dma_wait3A_142 : memref<1x64xf32, #tpu.memory_space<vmem>> -> memref<64xf32, #tpu.memory_space<vmem>>
      tpu.wait_dma2 semaphore(%run_scoped3A_129 : memref<!tpu.dma_semaphore, #tpu.memory_space<semaphore_mem>>) src(%dma_wait3A_143 : memref<64xf32, #tpu.memory_space<vmem>>) dst(%dma_wait3A_140 : memref<64xf32, #tpu.memory_space<vmem_shared>>)
      tpu.yield
    }) : () -> ()
    %mul3A_58 = arith.constant 640 : i32
    %mul3A_59 = arith.muli %arg1, %mul3A_58 : i32
    %add3A_60 = arith.constant 448 : i32
    %add3A_61 = arith.addi %mul3A_59, %add3A_60 : i32
    %run_scoped3A_62 = arith.constant 0 : i32
    "tpu.region"() ({
      %run_scoped3A_129 = tpu.sem_alloc : memref<!tpu.dma_semaphore, #tpu.memory_space<semaphore_mem>>
      %dma_start3A = arith.constant 0 : i32
      %dma_start3A_130 = tpu.memref_slice %arg12[%run_scoped3A_62, %dma_start3A] : memref<128x64xf32, #tpu.memory_space<vmem>> -> memref<1x64xf32, #tpu.memory_space<vmem>>
      %dma_start3A_131 = tpu.memref_squeeze %dma_start3A_130 : memref<1x64xf32, #tpu.memory_space<vmem>> -> memref<64xf32, #tpu.memory_space<vmem>>
      %dma_start3A_132 = tpu.memref_slice %arg13[%add3A_61] : memref<10240xf32, #tpu.memory_space<vmem_shared>> -> memref<64xf32, #tpu.memory_space<vmem_shared>>
      %dma_start3A_133 = tpu.memref_slice %arg13[%add3A_61] : memref<10240xf32, #tpu.memory_space<vmem_shared>> -> memref<64xf32, #tpu.memory_space<vmem_shared>>
      %dma_start3A_134 = arith.constant 0 : i32
      %dma_start3A_135 = tpu.memref_slice %arg12[%run_scoped3A_62, %dma_start3A_134] : memref<128x64xf32, #tpu.memory_space<vmem>> -> memref<1x64xf32, #tpu.memory_space<vmem>>
      %dma_start3A_136 = tpu.memref_squeeze %dma_start3A_135 : memref<1x64xf32, #tpu.memory_space<vmem>> -> memref<64xf32, #tpu.memory_space<vmem>>
      tpu.enqueue_dma source(%dma_start3A_136 : memref<64xf32, #tpu.memory_space<vmem>>) target(%dma_start3A_133 : memref<64xf32, #tpu.memory_space<vmem_shared>>) target_semaphore(%run_scoped3A_129 : memref<!tpu.dma_semaphore, #tpu.memory_space<semaphore_mem>>)
      %dma_wait3A = arith.constant 0 : i32
      %dma_wait3A_137 = tpu.memref_slice %arg12[%run_scoped3A_62, %dma_wait3A] : memref<128x64xf32, #tpu.memory_space<vmem>> -> memref<1x64xf32, #tpu.memory_space<vmem>>
      %dma_wait3A_138 = tpu.memref_squeeze %dma_wait3A_137 : memref<1x64xf32, #tpu.memory_space<vmem>> -> memref<64xf32, #tpu.memory_space<vmem>>
      %dma_wait3A_139 = tpu.memref_slice %arg13[%add3A_61] : memref<10240xf32, #tpu.memory_space<vmem_shared>> -> memref<64xf32, #tpu.memory_space<vmem_shared>>
      %dma_wait3A_140 = tpu.memref_slice %arg13[%add3A_61] : memref<10240xf32, #tpu.memory_space<vmem_shared>> -> memref<64xf32, #tpu.memory_space<vmem_shared>>
      %dma_wait3A_141 = arith.constant 0 : i32
      %dma_wait3A_142 = tpu.memref_slice %arg12[%run_scoped3A_62, %dma_wait3A_141] : memref<128x64xf32, #tpu.memory_space<vmem>> -> memref<1x64xf32, #tpu.memory_space<vmem>>
      %dma_wait3A_143 = tpu.memref_squeeze %dma_wait3A_142 : memref<1x64xf32, #tpu.memory_space<vmem>> -> memref<64xf32, #tpu.memory_space<vmem>>
      tpu.wait_dma2 semaphore(%run_scoped3A_129 : memref<!tpu.dma_semaphore, #tpu.memory_space<semaphore_mem>>) src(%dma_wait3A_143 : memref<64xf32, #tpu.memory_space<vmem>>) dst(%dma_wait3A_140 : memref<64xf32, #tpu.memory_space<vmem_shared>>)
      tpu.yield
    }) : () -> ()
    %mul3A_63 = arith.constant 640 : i32
    %mul3A_64 = arith.muli %arg1, %mul3A_63 : i32
    %add3A_65 = arith.constant 512 : i32
    %add3A_66 = arith.addi %mul3A_64, %add3A_65 : i32
    %run_scoped3A_67 = arith.constant 0 : i32
    "tpu.region"() ({
      %run_scoped3A_129 = tpu.sem_alloc : memref<!tpu.dma_semaphore, #tpu.memory_space<semaphore_mem>>
      %dma_start3A = arith.constant 0 : i32
      %dma_start3A_130 = tpu.memref_slice %arg12[%run_scoped3A_67, %dma_start3A] : memref<128x64xf32, #tpu.memory_space<vmem>> -> memref<1x64xf32, #tpu.memory_space<vmem>>
      %dma_start3A_131 = tpu.memref_squeeze %dma_start3A_130 : memref<1x64xf32, #tpu.memory_space<vmem>> -> memref<64xf32, #tpu.memory_space<vmem>>
      %dma_start3A_132 = tpu.memref_slice %arg13[%add3A_66] : memref<10240xf32, #tpu.memory_space<vmem_shared>> -> memref<64xf32, #tpu.memory_space<vmem_shared>>
      %dma_start3A_133 = tpu.memref_slice %arg13[%add3A_66] : memref<10240xf32, #tpu.memory_space<vmem_shared>> -> memref<64xf32, #tpu.memory_space<vmem_shared>>
      %dma_start3A_134 = arith.constant 0 : i32
      %dma_start3A_135 = tpu.memref_slice %arg12[%run_scoped3A_67, %dma_start3A_134] : memref<128x64xf32, #tpu.memory_space<vmem>> -> memref<1x64xf32, #tpu.memory_space<vmem>>
      %dma_start3A_136 = tpu.memref_squeeze %dma_start3A_135 : memref<1x64xf32, #tpu.memory_space<vmem>> -> memref<64xf32, #tpu.memory_space<vmem>>
      tpu.enqueue_dma source(%dma_start3A_136 : memref<64xf32, #tpu.memory_space<vmem>>) target(%dma_start3A_133 : memref<64xf32, #tpu.memory_space<vmem_shared>>) target_semaphore(%run_scoped3A_129 : memref<!tpu.dma_semaphore, #tpu.memory_space<semaphore_mem>>)
      %dma_wait3A = arith.constant 0 : i32
      %dma_wait3A_137 = tpu.memref_slice %arg12[%run_scoped3A_67, %dma_wait3A] : memref<128x64xf32, #tpu.memory_space<vmem>> -> memref<1x64xf32, #tpu.memory_space<vmem>>
      %dma_wait3A_138 = tpu.memref_squeeze %dma_wait3A_137 : memref<1x64xf32, #tpu.memory_space<vmem>> -> memref<64xf32, #tpu.memory_space<vmem>>
      %dma_wait3A_139 = tpu.memref_slice %arg13[%add3A_66] : memref<10240xf32, #tpu.memory_space<vmem_shared>> -> memref<64xf32, #tpu.memory_space<vmem_shared>>
      %dma_wait3A_140 = tpu.memref_slice %arg13[%add3A_66] : memref<10240xf32, #tpu.memory_space<vmem_shared>> -> memref<64xf32, #tpu.memory_space<vmem_shared>>
      %dma_wait3A_141 = arith.constant 0 : i32
      %dma_wait3A_142 = tpu.memref_slice %arg12[%run_scoped3A_67, %dma_wait3A_141] : memref<128x64xf32, #tpu.memory_space<vmem>> -> memref<1x64xf32, #tpu.memory_space<vmem>>
      %dma_wait3A_143 = tpu.memref_squeeze %dma_wait3A_142 : memref<1x64xf32, #tpu.memory_space<vmem>> -> memref<64xf32, #tpu.memory_space<vmem>>
      tpu.wait_dma2 semaphore(%run_scoped3A_129 : memref<!tpu.dma_semaphore, #tpu.memory_space<semaphore_mem>>) src(%dma_wait3A_143 : memref<64xf32, #tpu.memory_space<vmem>>) dst(%dma_wait3A_140 : memref<64xf32, #tpu.memory_space<vmem_shared>>)
      tpu.yield
    }) : () -> ()
    %mul3A_68 = arith.constant 640 : i32
    %mul3A_69 = arith.muli %arg1, %mul3A_68 : i32
    %add3A_70 = arith.constant 576 : i32
    %add3A_71 = arith.addi %mul3A_69, %add3A_70 : i32
    %run_scoped3A_72 = arith.constant 0 : i32
    "tpu.region"() ({
      %run_scoped3A_129 = tpu.sem_alloc : memref<!tpu.dma_semaphore, #tpu.memory_space<semaphore_mem>>
      %dma_start3A = arith.constant 0 : i32
      %dma_start3A_130 = tpu.memref_slice %arg12[%run_scoped3A_72, %dma_start3A] : memref<128x64xf32, #tpu.memory_space<vmem>> -> memref<1x64xf32, #tpu.memory_space<vmem>>
      %dma_start3A_131 = tpu.memref_squeeze %dma_start3A_130 : memref<1x64xf32, #tpu.memory_space<vmem>> -> memref<64xf32, #tpu.memory_space<vmem>>
      %dma_start3A_132 = tpu.memref_slice %arg13[%add3A_71] : memref<10240xf32, #tpu.memory_space<vmem_shared>> -> memref<64xf32, #tpu.memory_space<vmem_shared>>
      %dma_start3A_133 = tpu.memref_slice %arg13[%add3A_71] : memref<10240xf32, #tpu.memory_space<vmem_shared>> -> memref<64xf32, #tpu.memory_space<vmem_shared>>
      %dma_start3A_134 = arith.constant 0 : i32
      %dma_start3A_135 = tpu.memref_slice %arg12[%run_scoped3A_72, %dma_start3A_134] : memref<128x64xf32, #tpu.memory_space<vmem>> -> memref<1x64xf32, #tpu.memory_space<vmem>>
      %dma_start3A_136 = tpu.memref_squeeze %dma_start3A_135 : memref<1x64xf32, #tpu.memory_space<vmem>> -> memref<64xf32, #tpu.memory_space<vmem>>
      tpu.enqueue_dma source(%dma_start3A_136 : memref<64xf32, #tpu.memory_space<vmem>>) target(%dma_start3A_133 : memref<64xf32, #tpu.memory_space<vmem_shared>>) target_semaphore(%run_scoped3A_129 : memref<!tpu.dma_semaphore, #tpu.memory_space<semaphore_mem>>)
      %dma_wait3A = arith.constant 0 : i32
      %dma_wait3A_137 = tpu.memref_slice %arg12[%run_scoped3A_72, %dma_wait3A] : memref<128x64xf32, #tpu.memory_space<vmem>> -> memref<1x64xf32, #tpu.memory_space<vmem>>
      %dma_wait3A_138 = tpu.memref_squeeze %dma_wait3A_137 : memref<1x64xf32, #tpu.memory_space<vmem>> -> memref<64xf32, #tpu.memory_space<vmem>>
      %dma_wait3A_139 = tpu.memref_slice %arg13[%add3A_71] : memref<10240xf32, #tpu.memory_space<vmem_shared>> -> memref<64xf32, #tpu.memory_space<vmem_shared>>
      %dma_wait3A_140 = tpu.memref_slice %arg13[%add3A_71] : memref<10240xf32, #tpu.memory_space<vmem_shared>> -> memref<64xf32, #tpu.memory_space<vmem_shared>>
      %dma_wait3A_141 = arith.constant 0 : i32
      %dma_wait3A_142 = tpu.memref_slice %arg12[%run_scoped3A_72, %dma_wait3A_141] : memref<128x64xf32, #tpu.memory_space<vmem>> -> memref<1x64xf32, #tpu.memory_space<vmem>>
      %dma_wait3A_143 = tpu.memref_squeeze %dma_wait3A_142 : memref<1x64xf32, #tpu.memory_space<vmem>> -> memref<64xf32, #tpu.memory_space<vmem>>
      tpu.wait_dma2 semaphore(%run_scoped3A_129 : memref<!tpu.dma_semaphore, #tpu.memory_space<semaphore_mem>>) src(%dma_wait3A_143 : memref<64xf32, #tpu.memory_space<vmem>>) dst(%dma_wait3A_140 : memref<64xf32, #tpu.memory_space<vmem_shared>>)
      tpu.yield
    }) : () -> ()
    %barrier3A = arith.constant 0 : index
    tpu.barrier barrier_id(%barrier3A)
    %mul3A_73 = arith.constant 160 : i32
    %mul3A_74 = arith.muli %arg1, %mul3A_73 : i32
    "tpu.region"() ({
      %run_scoped3A_129 = tpu.sem_alloc : memref<!tpu.dma_semaphore, #tpu.memory_space<semaphore_mem>>
      %dma_start3A = arith.constant 0 : i32
      %dma_start3A_130 = tpu.memref_slice %arg2[%mul3A_74, %dma_start3A] : memref<2560x128xi32, #tpu.memory_space<hbm>> -> memref<160x128xi32, #tpu.memory_space<hbm>>
      %dma_start3A_131 = arith.constant 0 : i32
      %dma_start3A_132 = tpu.memref_slice %arg2[%mul3A_74, %dma_start3A_131] : memref<2560x128xi32, #tpu.memory_space<hbm>> -> memref<160x128xi32, #tpu.memory_space<hbm>>
      tpu.enqueue_dma source(%dma_start3A_132 : memref<160x128xi32, #tpu.memory_space<hbm>>) target(%arg8 : memref<160x128xi32, #tpu.memory_space<vmem>>) target_semaphore(%run_scoped3A_129 : memref<!tpu.dma_semaphore, #tpu.memory_space<semaphore_mem>>)
      %dma_wait3A = arith.constant 0 : i32
      %dma_wait3A_133 = tpu.memref_slice %arg2[%mul3A_74, %dma_wait3A] : memref<2560x128xi32, #tpu.memory_space<hbm>> -> memref<160x128xi32, #tpu.memory_space<hbm>>
      %dma_wait3A_134 = arith.constant 0 : i32
      %dma_wait3A_135 = tpu.memref_slice %arg2[%mul3A_74, %dma_wait3A_134] : memref<2560x128xi32, #tpu.memory_space<hbm>> -> memref<160x128xi32, #tpu.memory_space<hbm>>
      tpu.wait_dma2 semaphore(%run_scoped3A_129 : memref<!tpu.dma_semaphore, #tpu.memory_space<semaphore_mem>>) src(%dma_wait3A_135 : memref<160x128xi32, #tpu.memory_space<hbm>>) dst(%arg8 : memref<160x128xi32, #tpu.memory_space<vmem>>)
      tpu.yield
    }) : () -> ()
    %mul3A_75 = arith.constant 160 : i32
    %mul3A_76 = arith.muli %arg1, %mul3A_75 : i32
    "tpu.region"() ({
      %run_scoped3A_129 = tpu.sem_alloc : memref<!tpu.dma_semaphore, #tpu.memory_space<semaphore_mem>>
      %dma_start3A = arith.constant 0 : i32
      %dma_start3A_130 = tpu.memref_slice %arg3[%mul3A_76, %dma_start3A] : memref<2560x128xi32, #tpu.memory_space<hbm>> -> memref<160x128xi32, #tpu.memory_space<hbm>>
      %dma_start3A_131 = arith.constant 0 : i32
      %dma_start3A_132 = tpu.memref_slice %arg3[%mul3A_76, %dma_start3A_131] : memref<2560x128xi32, #tpu.memory_space<hbm>> -> memref<160x128xi32, #tpu.memory_space<hbm>>
      tpu.enqueue_dma source(%dma_start3A_132 : memref<160x128xi32, #tpu.memory_space<hbm>>) target(%arg9 : memref<160x128xi32, #tpu.memory_space<vmem>>) target_semaphore(%run_scoped3A_129 : memref<!tpu.dma_semaphore, #tpu.memory_space<semaphore_mem>>)
      %dma_wait3A = arith.constant 0 : i32
      %dma_wait3A_133 = tpu.memref_slice %arg3[%mul3A_76, %dma_wait3A] : memref<2560x128xi32, #tpu.memory_space<hbm>> -> memref<160x128xi32, #tpu.memory_space<hbm>>
      %dma_wait3A_134 = arith.constant 0 : i32
      %dma_wait3A_135 = tpu.memref_slice %arg3[%mul3A_76, %dma_wait3A_134] : memref<2560x128xi32, #tpu.memory_space<hbm>> -> memref<160x128xi32, #tpu.memory_space<hbm>>
      tpu.wait_dma2 semaphore(%run_scoped3A_129 : memref<!tpu.dma_semaphore, #tpu.memory_space<semaphore_mem>>) src(%dma_wait3A_135 : memref<160x128xi32, #tpu.memory_space<hbm>>) dst(%arg9 : memref<160x128xi32, #tpu.memory_space<vmem>>)
      tpu.yield
    }) : () -> ()
    %mul3A_77 = arith.constant 160 : i32
    %mul3A_78 = arith.muli %arg1, %mul3A_77 : i32
    "tpu.region"() ({
      %run_scoped3A_129 = tpu.sem_alloc : memref<!tpu.dma_semaphore, #tpu.memory_space<semaphore_mem>>
      %dma_start3A = arith.constant 0 : i32
      %dma_start3A_130 = tpu.memref_slice %arg4[%mul3A_78, %dma_start3A] : memref<2560x128xf32, #tpu.memory_space<hbm>> -> memref<160x128xf32, #tpu.memory_space<hbm>>
      %dma_start3A_131 = arith.constant 0 : i32
      %dma_start3A_132 = tpu.memref_slice %arg4[%mul3A_78, %dma_start3A_131] : memref<2560x128xf32, #tpu.memory_space<hbm>> -> memref<160x128xf32, #tpu.memory_space<hbm>>
      tpu.enqueue_dma source(%dma_start3A_132 : memref<160x128xf32, #tpu.memory_space<hbm>>) target(%arg10 : memref<160x128xf32, #tpu.memory_space<vmem>>) target_semaphore(%run_scoped3A_129 : memref<!tpu.dma_semaphore, #tpu.memory_space<semaphore_mem>>)
      %dma_wait3A = arith.constant 0 : i32
      %dma_wait3A_133 = tpu.memref_slice %arg4[%mul3A_78, %dma_wait3A] : memref<2560x128xf32, #tpu.memory_space<hbm>> -> memref<160x128xf32, #tpu.memory_space<hbm>>
      %dma_wait3A_134 = arith.constant 0 : i32
      %dma_wait3A_135 = tpu.memref_slice %arg4[%mul3A_78, %dma_wait3A_134] : memref<2560x128xf32, #tpu.memory_space<hbm>> -> memref<160x128xf32, #tpu.memory_space<hbm>>
      tpu.wait_dma2 semaphore(%run_scoped3A_129 : memref<!tpu.dma_semaphore, #tpu.memory_space<semaphore_mem>>) src(%dma_wait3A_135 : memref<160x128xf32, #tpu.memory_space<hbm>>) dst(%arg10 : memref<160x128xf32, #tpu.memory_space<vmem>>)
      tpu.yield
    }) : () -> ()
    %scan3A_79 = arith.constant 0 : i32
    %scan3A_80 = arith.constant 0 : i32
    %scan3A_81 = arith.constant 160 : i32
    %scan3A_82 = arith.addi %scan3A_80, %scan3A_81 : i32
    %scan3A_83 = arith.constant 1 : i32
    %scan3A_84 = scf.for %scan3A_129 = %scan3A_80 to %scan3A_82 step %scan3A_83 iter_args(%scan3A_130 = %scan3A_79) -> (i32)  : i32 {
      %scan3A_131 = arith.constant 0 : i32
      %scan3A_132 = arith.constant 0 : i32
      %scan3A_133 = arith.constant 8 : i32
      %scan3A_134 = arith.addi %scan3A_132, %scan3A_133 : i32
      %scan3A_135 = arith.constant 1 : i32
      %scan3A_136 = scf.for %scan3A_139 = %scan3A_132 to %scan3A_134 step %scan3A_135 iter_args(%scan3A_140 = %scan3A_131) -> (i32)  : i32 {
        %mul3A_141 = arith.constant 16 : i32
        %mul3A_142 = arith.muli %scan3A_139, %mul3A_141 : i32
        %get3A = arith.index_cast %scan3A_129 : i32 to index
        %get3A_143 = arith.index_cast %mul3A_142 : i32 to index
        %get3A_144 = tpu.vector_load %arg8[%get3A, %get3A_143] {strides = array<i32>} : memref<160x128xi32, #tpu.memory_space<vmem>>, vector<16xi32>,
        %get3A_145 = arith.index_cast %scan3A_129 : i32 to index
        %get3A_146 = arith.index_cast %mul3A_142 : i32 to index
        %get3A_147 = tpu.vector_load %arg9[%get3A_145, %get3A_146] {strides = array<i32>} : memref<160x128xi32, #tpu.memory_space<vmem>>, vector<16xi32>,
        %eq3A_148 = arith.cmpi eq, %get3A_144, %get3A_147 : vector<16xi32>
        %get3A_149 = arith.index_cast %scan3A_129 : i32 to index
        %get3A_150 = arith.index_cast %mul3A_142 : i32 to index
        %get3A_151 = tpu.vector_load %arg10[%get3A_149, %get3A_150] {strides = array<i32>} : memref<160x128xf32, #tpu.memory_space<vmem>>, vector<16xf32>,
        %jit3A = arith.constant 0.000000e+00 : f32
        %broadcast_in_dim3A = vector.broadcast %jit3A : f32 to vector<16xf32>
        %select_n3A = arith.select %eq3A_148, %broadcast_in_dim3A, %get3A_151 : vector<16xi1>, vector<16xf32>
        %swap3A = arith.index_cast %scan3A_129 : i32 to index
        %swap3A_152 = arith.index_cast %mul3A_142 : i32 to index
        %swap3A_153 = tpu.vector_load %arg10[%swap3A, %swap3A_152] {strides = array<i32>} : memref<160x128xf32, #tpu.memory_space<vmem>>, vector<16xf32>,
        tpu.vector_store %arg10[%swap3A, %swap3A_152], %select_n3A {strides = array<i32>} : memref<160x128xf32, #tpu.memory_space<vmem>>, vector<16xf32>,
        %scan3A_154 = arith.constant 0 : i32
        scf.yield %scan3A_154 : i32
      }
      %scan3A_137 = arith.constant 8 : i32
      "tpu.region"() ({
        %run_scoped3A_139 = tpu.sem_alloc : memref<!tpu.dma_semaphore, #tpu.memory_space<semaphore_mem>>
        %dma_start3A = arith.constant 0 : i32
        %dma_start3A_140 = tpu.memref_slice %arg10[%scan3A_129, %dma_start3A] : memref<160x128xf32, #tpu.memory_space<vmem>> -> memref<1x128xf32, #tpu.memory_space<vmem>>
        %dma_start3A_141 = tpu.memref_squeeze %dma_start3A_140 : memref<1x128xf32, #tpu.memory_space<vmem>> -> memref<128xf32, #tpu.memory_space<vmem>>
        %dma_start3A_142 = arith.constant 0 : i32
        %dma_start3A_143 = tpu.memref_slice %arg8[%scan3A_129, %dma_start3A_142] : memref<160x128xi32, #tpu.memory_space<vmem>> -> memref<1x128xi32, #tpu.memory_space<vmem>>
        %dma_start3A_144 = tpu.memref_squeeze %dma_start3A_143 : memref<1x128xi32, #tpu.memory_space<vmem>> -> memref<128xi32, #tpu.memory_space<vmem>>
        %dma_start3A_145 = arith.constant 0 : i32
        %dma_start3A_146 = tpu.memref_slice %arg13[%dma_start3A_145] : memref<10240xf32, #tpu.memory_space<vmem_shared>> -> memref<10240xf32, #tpu.memory_space<vmem_shared>>
        tpu.enqueue_indirect_dma source(%dma_start3A_141 : memref<128xf32, #tpu.memory_space<vmem>>) target(%dma_start3A_146 : memref<10240xf32, #tpu.memory_space<vmem_shared>>) offsets(%dma_start3A_144 : memref<128xi32, #tpu.memory_space<vmem>>) semaphore(%run_scoped3A_139 : memref<!tpu.dma_semaphore, #tpu.memory_space<semaphore_mem>>) {add = true}
        %dma_wait3A = arith.constant 0 : i32
        %dma_wait3A_147 = tpu.memref_slice %arg10[%scan3A_129, %dma_wait3A] : memref<160x128xf32, #tpu.memory_space<vmem>> -> memref<1x128xf32, #tpu.memory_space<vmem>>
        %dma_wait3A_148 = tpu.memref_squeeze %dma_wait3A_147 : memref<1x128xf32, #tpu.memory_space<vmem>> -> memref<128xf32, #tpu.memory_space<vmem>>
        %dma_wait3A_149 = arith.constant 0 : i32
        %dma_wait3A_150 = tpu.memref_slice %arg8[%scan3A_129, %dma_wait3A_149] : memref<160x128xi32, #tpu.memory_space<vmem>> -> memref<1x128xi32, #tpu.memory_space<vmem>>
        %dma_wait3A_151 = tpu.memref_squeeze %dma_wait3A_150 : memref<1x128xi32, #tpu.memory_space<vmem>> -> memref<128xi32, #tpu.memory_space<vmem>>
        %dma_wait3A_152 = arith.constant 0 : i32
        %dma_wait3A_153 = tpu.memref_slice %arg13[%dma_wait3A_152] : memref<10240xf32, #tpu.memory_space<vmem_shared>> -> memref<10240xf32, #tpu.memory_space<vmem_shared>>
        tpu.wait_indirect_dma semaphore(%run_scoped3A_139 : memref<!tpu.dma_semaphore, #tpu.memory_space<semaphore_mem>>) src(%dma_wait3A_148 : memref<128xf32, #tpu.memory_space<vmem>>) dst(%dma_wait3A_153 : memref<10240xf32, #tpu.memory_space<vmem_shared>>)
        tpu.yield
      }) : () -> ()
      %scan3A_138 = arith.constant 0 : i32
      scf.yield %scan3A_138 : i32
    }
    %scan3A_85 = arith.constant 160 : i32
    %barrier3A_86 = arith.constant 0 : index
    tpu.barrier barrier_id(%barrier3A_86)
    "tpu.region"() ({
      %run_scoped3A_129 = tpu.sem_alloc : memref<!tpu.dma_semaphore, #tpu.memory_space<semaphore_mem>>
      tpu.enqueue_dma source(%arg13 : memref<10240xf32, #tpu.memory_space<vmem_shared>>) target(%arg11 : memref<10240xf32, #tpu.memory_space<vmem>>) target_semaphore(%run_scoped3A_129 : memref<!tpu.dma_semaphore, #tpu.memory_space<semaphore_mem>>)
      tpu.wait_dma2 semaphore(%run_scoped3A_129 : memref<!tpu.dma_semaphore, #tpu.memory_space<semaphore_mem>>) src(%arg13 : memref<10240xf32, #tpu.memory_space<vmem_shared>>) dst(%arg11 : memref<10240xf32, #tpu.memory_space<vmem>>)
      tpu.yield
    }) : () -> ()
    %scan3A_87 = arith.constant 0 : i32
    %scan3A_88 = arith.constant 0 : i32
    %scan3A_89 = arith.constant 640 : i32
    %scan3A_90 = arith.addi %scan3A_88, %scan3A_89 : i32
    %scan3A_91 = arith.constant 1 : i32
    %scan3A_92 = scf.for %scan3A_129 = %scan3A_88 to %scan3A_90 step %scan3A_91 iter_args(%scan3A_130 = %scan3A_87) -> (i32)  : i32 {
      %mul3A_131 = arith.constant 16 : i32
      %mul3A_132 = arith.muli %scan3A_129, %mul3A_131 : i32
      %get3A = arith.index_cast %mul3A_132 : i32 to index
      %get3A_133 = tpu.vector_load %arg11[%get3A] {strides = array<i32>} : memref<10240xf32, #tpu.memory_space<vmem>>, vector<16xf32>,
      %bitcast_convert_type3A = tpu.bitcast %get3A_133 : vector<16xf32> -> vector<16xi32>
      %shift_right_arithmetic3A = arith.constant 1 : i32
      %shift_right_arithmetic3A_134 = vector.broadcast %shift_right_arithmetic3A : i32 to vector<16xi32>
      %shift_right_arithmetic3A_135 = arith.shrsi %bitcast_convert_type3A, %shift_right_arithmetic3A_134 : vector<16xi32>
      %sub3A = arith.constant 1597463007 : i32
      %sub3A_136 = vector.broadcast %sub3A : i32 to vector<16xi32>
      %sub3A_137 = arith.subi %sub3A_136, %shift_right_arithmetic3A_135 : vector<16xi32>
      %bitcast_convert_type3A_138 = tpu.bitcast %sub3A_137 : vector<16xi32> -> vector<16xf32>
      %mul3A_139 = arith.constant 5.000000e-01 : f32
      %mul3A_140 = vector.broadcast %mul3A_139 : f32 to vector<16xf32>
      %mul3A_141 = arith.mulf %get3A_133, %mul3A_140 : vector<16xf32>
      %mul3A_142 = arith.mulf %mul3A_141, %bitcast_convert_type3A_138 : vector<16xf32>
      %mul3A_143 = arith.mulf %mul3A_142, %bitcast_convert_type3A_138 : vector<16xf32>
      %sub3A_144 = arith.constant 1.500000e+00 : f32
      %sub3A_145 = vector.broadcast %sub3A_144 : f32 to vector<16xf32>
      %sub3A_146 = arith.subf %sub3A_145, %mul3A_143 : vector<16xf32>
      %mul3A_147 = arith.mulf %bitcast_convert_type3A_138, %sub3A_146 : vector<16xf32>
      %mul3A_148 = arith.mulf %mul3A_141, %mul3A_147 : vector<16xf32>
      %mul3A_149 = arith.mulf %mul3A_148, %mul3A_147 : vector<16xf32>
      %sub3A_150 = arith.constant 1.500000e+00 : f32
      %sub3A_151 = vector.broadcast %sub3A_150 : f32 to vector<16xf32>
      %sub3A_152 = arith.subf %sub3A_151, %mul3A_149 : vector<16xf32>
      %mul3A_153 = arith.mulf %mul3A_147, %sub3A_152 : vector<16xf32>
      %mul3A_154 = arith.mulf %mul3A_141, %mul3A_153 : vector<16xf32>
      %mul3A_155 = arith.mulf %mul3A_154, %mul3A_153 : vector<16xf32>
      %sub3A_156 = arith.constant 1.500000e+00 : f32
      %sub3A_157 = vector.broadcast %sub3A_156 : f32 to vector<16xf32>
      %sub3A_158 = arith.subf %sub3A_157, %mul3A_155 : vector<16xf32>
      %mul3A_159 = arith.mulf %mul3A_153, %sub3A_158 : vector<16xf32>
      %mul3A_160 = arith.mulf %mul3A_141, %mul3A_159 : vector<16xf32>
      %mul3A_161 = arith.mulf %mul3A_160, %mul3A_159 : vector<16xf32>
      %sub3A_162 = arith.constant 1.500000e+00 : f32
      %sub3A_163 = vector.broadcast %sub3A_162 : f32 to vector<16xf32>
      %sub3A_164 = arith.subf %sub3A_163, %mul3A_161 : vector<16xf32>
      %mul3A_165 = arith.mulf %mul3A_159, %sub3A_164 : vector<16xf32>
      %gt3A = arith.constant 0.000000e+00 : f32
      %gt3A_166 = vector.broadcast %gt3A : f32 to vector<16xf32>
      %gt3A_167 = arith.cmpf ogt, %get3A_133, %gt3A_166 : vector<16xf32>
      %jit3A = arith.constant 0.000000e+00 : f32
      %broadcast_in_dim3A = vector.broadcast %jit3A : f32 to vector<16xf32>
      %select_n3A = arith.select %gt3A_167, %mul3A_165, %broadcast_in_dim3A : vector<16xi1>, vector<16xf32>
      %swap3A = arith.index_cast %mul3A_132 : i32 to index
      %swap3A_168 = tpu.vector_load %arg11[%swap3A] {strides = array<i32>} : memref<10240xf32, #tpu.memory_space<vmem>>, vector<16xf32>,
      tpu.vector_store %arg11[%swap3A], %select_n3A {strides = array<i32>} : memref<10240xf32, #tpu.memory_space<vmem>>, vector<16xf32>,
      %scan3A_169 = arith.constant 0 : i32
      scf.yield %scan3A_169 : i32
    }
    %scan3A_93 = arith.constant 640 : i32
    %scan3A_94 = arith.constant 0 : i32
    %scan3A_95 = arith.constant 0 : i32
    %scan3A_96 = arith.constant 160 : i32
    %scan3A_97 = arith.addi %scan3A_95, %scan3A_96 : i32
    %scan3A_98 = arith.constant 1 : i32
    %scan3A_99 = scf.for %scan3A_129 = %scan3A_95 to %scan3A_97 step %scan3A_98 iter_args(%scan3A_130 = %scan3A_94) -> (i32)  : i32 {
      %scan3A_131 = arith.constant 0 : i32
      %scan3A_132 = arith.constant 0 : i32
      %scan3A_133 = arith.constant 8 : i32
      %scan3A_134 = arith.addi %scan3A_132, %scan3A_133 : i32
      %scan3A_135 = arith.constant 1 : i32
      %scan3A_136 = scf.for %scan3A_138 = %scan3A_132 to %scan3A_134 step %scan3A_135 iter_args(%scan3A_139 = %scan3A_131) -> (i32)  : i32 {
        %mul3A_140 = arith.constant 16 : i32
        %mul3A_141 = arith.muli %scan3A_138, %mul3A_140 : i32
        %get3A = arith.index_cast %scan3A_129 : i32 to index
        %get3A_142 = arith.index_cast %mul3A_141 : i32 to index
        %get3A_143 = tpu.vector_load %arg8[%get3A, %get3A_142] {strides = array<i32>} : memref<160x128xi32, #tpu.memory_space<vmem>>, vector<16xi32>,
        %gather3A = tpu.vector_load_idx %arg11[%get3A_143] : memref<10240xf32, #tpu.memory_space<vmem>>[vector<16xi32>], vector<16xf32>,
        %get3A_144 = arith.index_cast %scan3A_129 : i32 to index
        %get3A_145 = arith.index_cast %mul3A_141 : i32 to index
        %get3A_146 = tpu.vector_load %arg9[%get3A_144, %get3A_145] {strides = array<i32>} : memref<160x128xi32, #tpu.memory_space<vmem>>, vector<16xi32>,
        %gather3A_147 = tpu.vector_load_idx %arg11[%get3A_146] : memref<10240xf32, #tpu.memory_space<vmem>>[vector<16xi32>], vector<16xf32>,
        %get3A_148 = arith.index_cast %scan3A_129 : i32 to index
        %get3A_149 = arith.index_cast %mul3A_141 : i32 to index
        %get3A_150 = tpu.vector_load %arg10[%get3A_148, %get3A_149] {strides = array<i32>} : memref<160x128xf32, #tpu.memory_space<vmem>>, vector<16xf32>,
        %mul3A_151 = arith.mulf %gather3A, %get3A_150 : vector<16xf32>
        %mul3A_152 = arith.mulf %mul3A_151, %gather3A_147 : vector<16xf32>
        %neg3A = arith.constant 0.000000e+00 : f32
        %neg3A_153 = vector.broadcast %neg3A : f32 to vector<16xf32>
        %neg3A_154 = arith.subf %neg3A_153, %mul3A_152 : vector<16xf32>
        %swap3A = arith.index_cast %scan3A_129 : i32 to index
        %swap3A_155 = arith.index_cast %mul3A_141 : i32 to index
        %swap3A_156 = tpu.vector_load %arg10[%swap3A, %swap3A_155] {strides = array<i32>} : memref<160x128xf32, #tpu.memory_space<vmem>>, vector<16xf32>,
        tpu.vector_store %arg10[%swap3A, %swap3A_155], %neg3A_154 {strides = array<i32>} : memref<160x128xf32, #tpu.memory_space<vmem>>, vector<16xf32>,
        %scan3A_157 = arith.constant 0 : i32
        scf.yield %scan3A_157 : i32
      }
      %scan3A_137 = arith.constant 8 : i32
      scf.yield %scan3A_136 : i32
    }
    %scan3A_100 = arith.constant 160 : i32
    %eq3A = arith.constant 0 : i32
    %eq3A_101 = arith.cmpi eq, %arg0, %eq3A : i32
    %convert_element_type3A = arith.extui %eq3A_101 : i1 to i32
    %cond3A = arith.constant 0 : i32
    %cond3A_102 = arith.cmpi ne, %convert_element_type3A, %cond3A : i32
    scf.if %cond3A_102 {
      %scan3A_129 = arith.constant 0 : i32
      %scan3A_130 = arith.constant 0 : i32
      %scan3A_131 = arith.constant 160 : i32
      %scan3A_132 = arith.addi %scan3A_130, %scan3A_131 : i32
      %scan3A_133 = arith.constant 1 : i32
      %scan3A_134 = scf.for %scan3A_136 = %scan3A_130 to %scan3A_132 step %scan3A_133 iter_args(%scan3A_137 = %scan3A_129) -> (i32)  : i32 {
        %dma_start3A = arith.constant 0 : i32
        %dma_start3A_138 = tpu.memref_slice %arg8[%scan3A_136, %dma_start3A] : memref<160x128xi32, #tpu.memory_space<vmem>> -> memref<1x128xi32, #tpu.memory_space<vmem>>
        %dma_start3A_139 = tpu.memref_squeeze %dma_start3A_138 : memref<1x128xi32, #tpu.memory_space<vmem>> -> memref<128xi32, #tpu.memory_space<vmem>>
        %dma_start3A_140 = arith.constant 0 : i32
        %dma_start3A_141 = arith.constant 0 : i32
        %dma_start3A_142 = tpu.memref_slice %arg5[%dma_start3A_140, %dma_start3A_141] : memref<10000x64xf32, #tpu.memory_space<hbm>> -> memref<10000x64xf32, #tpu.memory_space<hbm>>
        tpu.enqueue_indirect_dma source(%dma_start3A_142 : memref<10000x64xf32, #tpu.memory_space<hbm>>) target(%arg12 : memref<128x64xf32, #tpu.memory_space<vmem>>) offsets(%dma_start3A_139 : memref<128xi32, #tpu.memory_space<vmem>>) semaphore(%arg15 : memref<!tpu.dma_semaphore, #tpu.memory_space<semaphore_mem>>)
        %dma_wait3A = arith.constant 0 : i32
        %dma_wait3A_143 = tpu.memref_slice %arg8[%scan3A_136, %dma_wait3A] : memref<160x128xi32, #tpu.memory_space<vmem>> -> memref<1x128xi32, #tpu.memory_space<vmem>>
        %dma_wait3A_144 = tpu.memref_squeeze %dma_wait3A_143 : memref<1x128xi32, #tpu.memory_space<vmem>> -> memref<128xi32, #tpu.memory_space<vmem>>
        %dma_wait3A_145 = arith.constant 0 : i32
        %dma_wait3A_146 = arith.constant 0 : i32
        %dma_wait3A_147 = tpu.memref_slice %arg5[%dma_wait3A_145, %dma_wait3A_146] : memref<10000x64xf32, #tpu.memory_space<hbm>> -> memref<10000x64xf32, #tpu.memory_space<hbm>>
        tpu.wait_indirect_dma semaphore(%arg15 : memref<!tpu.dma_semaphore, #tpu.memory_space<semaphore_mem>>) src(%dma_wait3A_147 : memref<10000x64xf32, #tpu.memory_space<hbm>>) dst(%arg12 : memref<128x64xf32, #tpu.memory_space<vmem>>)
        %scan3A_148 = arith.constant 0 : i32
        %scan3A_149 = arith.constant 0 : i32
        %scan3A_150 = arith.constant 128 : i32
        %scan3A_151 = arith.addi %scan3A_149, %scan3A_150 : i32
        %scan3A_152 = arith.constant 1 : i32
        %scan3A_153 = scf.for %scan3A_156 = %scan3A_149 to %scan3A_151 step %scan3A_152 iter_args(%scan3A_157 = %scan3A_148) -> (i32)  : i32 {
          %broadcast_in_dim3A = vector.broadcast %scan3A_136 : i32 to vector<16xi32>
          %broadcast_in_dim3A_158 = vector.broadcast %scan3A_156 : i32 to vector<16xi32>
          %gather3A = tpu.vector_load_idx %arg10[%broadcast_in_dim3A, %broadcast_in_dim3A_158] : memref<160x128xf32, #tpu.memory_space<vmem>>[vector<16xi32>, vector<16xi32>], vector<16xf32>,
          %get3A = arith.index_cast %scan3A_156 : i32 to index
          %get3A_159 = arith.constant 0 : index
          %get3A_160 = tpu.vector_load %arg12[%get3A, %get3A_159] {strides = array<i32>} : memref<128x64xf32, #tpu.memory_space<vmem>>, vector<16xf32>,
          %mul3A_161 = arith.mulf %get3A_160, %gather3A : vector<16xf32>
          %swap3A = arith.index_cast %scan3A_156 : i32 to index
          %swap3A_162 = arith.constant 0 : index
          %swap3A_163 = tpu.vector_load %arg12[%swap3A, %swap3A_162] {strides = array<i32>} : memref<128x64xf32, #tpu.memory_space<vmem>>, vector<16xf32>,
          tpu.vector_store %arg12[%swap3A, %swap3A_162], %mul3A_161 {strides = array<i32>} : memref<128x64xf32, #tpu.memory_space<vmem>>, vector<16xf32>,
          %get3A_164 = arith.index_cast %scan3A_156 : i32 to index
          %get3A_165 = arith.constant 16 : index
          %get3A_166 = tpu.vector_load %arg12[%get3A_164, %get3A_165] {strides = array<i32>} : memref<128x64xf32, #tpu.memory_space<vmem>>, vector<16xf32>,
          %mul3A_167 = arith.mulf %get3A_166, %gather3A : vector<16xf32>
          %swap3A_168 = arith.index_cast %scan3A_156 : i32 to index
          %swap3A_169 = arith.constant 16 : index
          %swap3A_170 = tpu.vector_load %arg12[%swap3A_168, %swap3A_169] {strides = array<i32>} : memref<128x64xf32, #tpu.memory_space<vmem>>, vector<16xf32>,
          tpu.vector_store %arg12[%swap3A_168, %swap3A_169], %mul3A_167 {strides = array<i32>} : memref<128x64xf32, #tpu.memory_space<vmem>>, vector<16xf32>,
          %get3A_171 = arith.index_cast %scan3A_156 : i32 to index
          %get3A_172 = arith.constant 32 : index
          %get3A_173 = tpu.vector_load %arg12[%get3A_171, %get3A_172] {strides = array<i32>} : memref<128x64xf32, #tpu.memory_space<vmem>>, vector<16xf32>,
          %mul3A_174 = arith.mulf %get3A_173, %gather3A : vector<16xf32>
          %swap3A_175 = arith.index_cast %scan3A_156 : i32 to index
          %swap3A_176 = arith.constant 32 : index
          %swap3A_177 = tpu.vector_load %arg12[%swap3A_175, %swap3A_176] {strides = array<i32>} : memref<128x64xf32, #tpu.memory_space<vmem>>, vector<16xf32>,
          tpu.vector_store %arg12[%swap3A_175, %swap3A_176], %mul3A_174 {strides = array<i32>} : memref<128x64xf32, #tpu.memory_space<vmem>>, vector<16xf32>,
          %get3A_178 = arith.index_cast %scan3A_156 : i32 to index
          %get3A_179 = arith.constant 48 : index
          %get3A_180 = tpu.vector_load %arg12[%get3A_178, %get3A_179] {strides = array<i32>} : memref<128x64xf32, #tpu.memory_space<vmem>>, vector<16xf32>,
          %mul3A_181 = arith.mulf %get3A_180, %gather3A : vector<16xf32>
          %swap3A_182 = arith.index_cast %scan3A_156 : i32 to index
          %swap3A_183 = arith.constant 48 : index
          %swap3A_184 = tpu.vector_load %arg12[%swap3A_182, %swap3A_183] {strides = array<i32>} : memref<128x64xf32, #tpu.memory_space<vmem>>, vector<16xf32>,
          tpu.vector_store %arg12[%swap3A_182, %swap3A_183], %mul3A_181 {strides = array<i32>} : memref<128x64xf32, #tpu.memory_space<vmem>>, vector<16xf32>,
          %scan3A_185 = arith.constant 0 : i32
          scf.yield %scan3A_185 : i32
        }
        %scan3A_154 = arith.constant 128 : i32
        "tpu.region"() ({
          %run_scoped3A_156 = tpu.sem_alloc : memref<!tpu.dma_semaphore, #tpu.memory_space<semaphore_mem>>
          %dma_start3A_157 = arith.constant 0 : i32
          %dma_start3A_158 = tpu.memref_slice %arg9[%scan3A_136, %dma_start3A_157] : memref<160x128xi32, #tpu.memory_space<vmem>> -> memref<1x128xi32, #tpu.memory_space<vmem>>
          %dma_start3A_159 = tpu.memref_squeeze %dma_start3A_158 : memref<1x128xi32, #tpu.memory_space<vmem>> -> memref<128xi32, #tpu.memory_space<vmem>>
          %dma_start3A_160 = arith.constant 0 : i32
          %dma_start3A_161 = arith.constant 0 : i32
          %dma_start3A_162 = tpu.memref_slice %arg14[%dma_start3A_160, %dma_start3A_161] : memref<10240x64xf32, #tpu.memory_space<vmem_shared>> -> memref<10240x64xf32, #tpu.memory_space<vmem_shared>>
          tpu.enqueue_indirect_dma source(%arg12 : memref<128x64xf32, #tpu.memory_space<vmem>>) target(%dma_start3A_162 : memref<10240x64xf32, #tpu.memory_space<vmem_shared>>) offsets(%dma_start3A_159 : memref<128xi32, #tpu.memory_space<vmem>>) semaphore(%run_scoped3A_156 : memref<!tpu.dma_semaphore, #tpu.memory_space<semaphore_mem>>) {add = true}
          %dma_wait3A_163 = arith.constant 0 : i32
          %dma_wait3A_164 = tpu.memref_slice %arg9[%scan3A_136, %dma_wait3A_163] : memref<160x128xi32, #tpu.memory_space<vmem>> -> memref<1x128xi32, #tpu.memory_space<vmem>>
          %dma_wait3A_165 = tpu.memref_squeeze %dma_wait3A_164 : memref<1x128xi32, #tpu.memory_space<vmem>> -> memref<128xi32, #tpu.memory_space<vmem>>
          %dma_wait3A_166 = arith.constant 0 : i32
          %dma_wait3A_167 = arith.constant 0 : i32
          %dma_wait3A_168 = tpu.memref_slice %arg14[%dma_wait3A_166, %dma_wait3A_167] : memref<10240x64xf32, #tpu.memory_space<vmem_shared>> -> memref<10240x64xf32, #tpu.memory_space<vmem_shared>>
          tpu.wait_indirect_dma semaphore(%run_scoped3A_156 : memref<!tpu.dma_semaphore, #tpu.memory_space<semaphore_mem>>) src(%arg12 : memref<128x64xf32, #tpu.memory_space<vmem>>) dst(%dma_wait3A_168 : memref<10240x64xf32, #tpu.memory_space<vmem_shared>>)
          tpu.yield
        }) : () -> ()
        %scan3A_155 = arith.constant 0 : i32
        scf.yield %scan3A_155 : i32
      }
      %scan3A_135 = arith.constant 160 : i32
    } else {
    }
    %eq3A_103 = arith.constant 1 : i32
    %eq3A_104 = arith.cmpi eq, %arg0, %eq3A_103 : i32
    %convert_element_type3A_105 = arith.extui %eq3A_104 : i1 to i32
    %cond3A_106 = arith.constant 0 : i32
    %cond3A_107 = arith.cmpi ne, %convert_element_type3A_105, %cond3A_106 : i32
    scf.if %cond3A_107 {
      %scan3A_129 = arith.constant 0 : i32
      %scan3A_130 = arith.constant 0 : i32
      %scan3A_131 = arith.constant 160 : i32
      %scan3A_132 = arith.addi %scan3A_130, %scan3A_131 : i32
      %scan3A_133 = arith.constant 1 : i32
      %scan3A_134 = scf.for %scan3A_136 = %scan3A_130 to %scan3A_132 step %scan3A_133 iter_args(%scan3A_137 = %scan3A_129) -> (i32)  : i32 {
        %dma_start3A = arith.constant 0 : i32
        %dma_start3A_138 = tpu.memref_slice %arg8[%scan3A_136, %dma_start3A] : memref<160x128xi32, #tpu.memory_space<vmem>> -> memref<1x128xi32, #tpu.memory_space<vmem>>
        %dma_start3A_139 = tpu.memref_squeeze %dma_start3A_138 : memref<1x128xi32, #tpu.memory_space<vmem>> -> memref<128xi32, #tpu.memory_space<vmem>>
        %dma_start3A_140 = arith.constant 0 : i32
        %dma_start3A_141 = arith.constant 0 : i32
        %dma_start3A_142 = tpu.memref_slice %arg6[%dma_start3A_140, %dma_start3A_141] : memref<10000x64xf32, #tpu.memory_space<hbm>> -> memref<10000x64xf32, #tpu.memory_space<hbm>>
        tpu.enqueue_indirect_dma source(%dma_start3A_142 : memref<10000x64xf32, #tpu.memory_space<hbm>>) target(%arg12 : memref<128x64xf32, #tpu.memory_space<vmem>>) offsets(%dma_start3A_139 : memref<128xi32, #tpu.memory_space<vmem>>) semaphore(%arg15 : memref<!tpu.dma_semaphore, #tpu.memory_space<semaphore_mem>>)
        %dma_wait3A = arith.constant 0 : i32
        %dma_wait3A_143 = tpu.memref_slice %arg8[%scan3A_136, %dma_wait3A] : memref<160x128xi32, #tpu.memory_space<vmem>> -> memref<1x128xi32, #tpu.memory_space<vmem>>
        %dma_wait3A_144 = tpu.memref_squeeze %dma_wait3A_143 : memref<1x128xi32, #tpu.memory_space<vmem>> -> memref<128xi32, #tpu.memory_space<vmem>>
        %dma_wait3A_145 = arith.constant 0 : i32
        %dma_wait3A_146 = arith.constant 0 : i32
        %dma_wait3A_147 = tpu.memref_slice %arg6[%dma_wait3A_145, %dma_wait3A_146] : memref<10000x64xf32, #tpu.memory_space<hbm>> -> memref<10000x64xf32, #tpu.memory_space<hbm>>
        tpu.wait_indirect_dma semaphore(%arg15 : memref<!tpu.dma_semaphore, #tpu.memory_space<semaphore_mem>>) src(%dma_wait3A_147 : memref<10000x64xf32, #tpu.memory_space<hbm>>) dst(%arg12 : memref<128x64xf32, #tpu.memory_space<vmem>>)
        %scan3A_148 = arith.constant 0 : i32
        %scan3A_149 = arith.constant 0 : i32
        %scan3A_150 = arith.constant 128 : i32
        %scan3A_151 = arith.addi %scan3A_149, %scan3A_150 : i32
        %scan3A_152 = arith.constant 1 : i32
        %scan3A_153 = scf.for %scan3A_156 = %scan3A_149 to %scan3A_151 step %scan3A_152 iter_args(%scan3A_157 = %scan3A_148) -> (i32)  : i32 {
          %broadcast_in_dim3A = vector.broadcast %scan3A_136 : i32 to vector<16xi32>
          %broadcast_in_dim3A_158 = vector.broadcast %scan3A_156 : i32 to vector<16xi32>
          %gather3A = tpu.vector_load_idx %arg10[%broadcast_in_dim3A, %broadcast_in_dim3A_158] : memref<160x128xf32, #tpu.memory_space<vmem>>[vector<16xi32>, vector<16xi32>], vector<16xf32>,
          %get3A = arith.index_cast %scan3A_156 : i32 to index
          %get3A_159 = arith.constant 0 : index
          %get3A_160 = tpu.vector_load %arg12[%get3A, %get3A_159] {strides = array<i32>} : memref<128x64xf32, #tpu.memory_space<vmem>>, vector<16xf32>,
          %mul3A_161 = arith.mulf %get3A_160, %gather3A : vector<16xf32>
          %swap3A = arith.index_cast %scan3A_156 : i32 to index
          %swap3A_162 = arith.constant 0 : index
          %swap3A_163 = tpu.vector_load %arg12[%swap3A, %swap3A_162] {strides = array<i32>} : memref<128x64xf32, #tpu.memory_space<vmem>>, vector<16xf32>,
          tpu.vector_store %arg12[%swap3A, %swap3A_162], %mul3A_161 {strides = array<i32>} : memref<128x64xf32, #tpu.memory_space<vmem>>, vector<16xf32>,
          %get3A_164 = arith.index_cast %scan3A_156 : i32 to index
          %get3A_165 = arith.constant 16 : index
          %get3A_166 = tpu.vector_load %arg12[%get3A_164, %get3A_165] {strides = array<i32>} : memref<128x64xf32, #tpu.memory_space<vmem>>, vector<16xf32>,
          %mul3A_167 = arith.mulf %get3A_166, %gather3A : vector<16xf32>
          %swap3A_168 = arith.index_cast %scan3A_156 : i32 to index
          %swap3A_169 = arith.constant 16 : index
          %swap3A_170 = tpu.vector_load %arg12[%swap3A_168, %swap3A_169] {strides = array<i32>} : memref<128x64xf32, #tpu.memory_space<vmem>>, vector<16xf32>,
          tpu.vector_store %arg12[%swap3A_168, %swap3A_169], %mul3A_167 {strides = array<i32>} : memref<128x64xf32, #tpu.memory_space<vmem>>, vector<16xf32>,
          %get3A_171 = arith.index_cast %scan3A_156 : i32 to index
          %get3A_172 = arith.constant 32 : index
          %get3A_173 = tpu.vector_load %arg12[%get3A_171, %get3A_172] {strides = array<i32>} : memref<128x64xf32, #tpu.memory_space<vmem>>, vector<16xf32>,
          %mul3A_174 = arith.mulf %get3A_173, %gather3A : vector<16xf32>
          %swap3A_175 = arith.index_cast %scan3A_156 : i32 to index
          %swap3A_176 = arith.constant 32 : index
          %swap3A_177 = tpu.vector_load %arg12[%swap3A_175, %swap3A_176] {strides = array<i32>} : memref<128x64xf32, #tpu.memory_space<vmem>>, vector<16xf32>,
          tpu.vector_store %arg12[%swap3A_175, %swap3A_176], %mul3A_174 {strides = array<i32>} : memref<128x64xf32, #tpu.memory_space<vmem>>, vector<16xf32>,
          %get3A_178 = arith.index_cast %scan3A_156 : i32 to index
          %get3A_179 = arith.constant 48 : index
          %get3A_180 = tpu.vector_load %arg12[%get3A_178, %get3A_179] {strides = array<i32>} : memref<128x64xf32, #tpu.memory_space<vmem>>, vector<16xf32>,
          %mul3A_181 = arith.mulf %get3A_180, %gather3A : vector<16xf32>
          %swap3A_182 = arith.index_cast %scan3A_156 : i32 to index
          %swap3A_183 = arith.constant 48 : index
          %swap3A_184 = tpu.vector_load %arg12[%swap3A_182, %swap3A_183] {strides = array<i32>} : memref<128x64xf32, #tpu.memory_space<vmem>>, vector<16xf32>,
          tpu.vector_store %arg12[%swap3A_182, %swap3A_183], %mul3A_181 {strides = array<i32>} : memref<128x64xf32, #tpu.memory_space<vmem>>, vector<16xf32>,
          %scan3A_185 = arith.constant 0 : i32
          scf.yield %scan3A_185 : i32
        }
        %scan3A_154 = arith.constant 128 : i32
        "tpu.region"() ({
          %run_scoped3A_156 = tpu.sem_alloc : memref<!tpu.dma_semaphore, #tpu.memory_space<semaphore_mem>>
          %dma_start3A_157 = arith.constant 0 : i32
          %dma_start3A_158 = tpu.memref_slice %arg9[%scan3A_136, %dma_start3A_157] : memref<160x128xi32, #tpu.memory_space<vmem>> -> memref<1x128xi32, #tpu.memory_space<vmem>>
          %dma_start3A_159 = tpu.memref_squeeze %dma_start3A_158 : memref<1x128xi32, #tpu.memory_space<vmem>> -> memref<128xi32, #tpu.memory_space<vmem>>
          %dma_start3A_160 = arith.constant 0 : i32
          %dma_start3A_161 = arith.constant 0 : i32
          %dma_start3A_162 = tpu.memref_slice %arg14[%dma_start3A_160, %dma_start3A_161] : memref<10240x64xf32, #tpu.memory_space<vmem_shared>> -> memref<10240x64xf32, #tpu.memory_space<vmem_shared>>
          tpu.enqueue_indirect_dma source(%arg12 : memref<128x64xf32, #tpu.memory_space<vmem>>) target(%dma_start3A_162 : memref<10240x64xf32, #tpu.memory_space<vmem_shared>>) offsets(%dma_start3A_159 : memref<128xi32, #tpu.memory_space<vmem>>) semaphore(%run_scoped3A_156 : memref<!tpu.dma_semaphore, #tpu.memory_space<semaphore_mem>>) {add = true}
          %dma_wait3A_163 = arith.constant 0 : i32
          %dma_wait3A_164 = tpu.memref_slice %arg9[%scan3A_136, %dma_wait3A_163] : memref<160x128xi32, #tpu.memory_space<vmem>> -> memref<1x128xi32, #tpu.memory_space<vmem>>
          %dma_wait3A_165 = tpu.memref_squeeze %dma_wait3A_164 : memref<1x128xi32, #tpu.memory_space<vmem>> -> memref<128xi32, #tpu.memory_space<vmem>>
          %dma_wait3A_166 = arith.constant 0 : i32
          %dma_wait3A_167 = arith.constant 0 : i32
          %dma_wait3A_168 = tpu.memref_slice %arg14[%dma_wait3A_166, %dma_wait3A_167] : memref<10240x64xf32, #tpu.memory_space<vmem_shared>> -> memref<10240x64xf32, #tpu.memory_space<vmem_shared>>
          tpu.wait_indirect_dma semaphore(%run_scoped3A_156 : memref<!tpu.dma_semaphore, #tpu.memory_space<semaphore_mem>>) src(%arg12 : memref<128x64xf32, #tpu.memory_space<vmem>>) dst(%dma_wait3A_168 : memref<10240x64xf32, #tpu.memory_space<vmem_shared>>)
          tpu.yield
        }) : () -> ()
        %scan3A_155 = arith.constant 0 : i32
        scf.yield %scan3A_155 : i32
      }
      %scan3A_135 = arith.constant 160 : i32
    } else {
    }
    %barrier3A_108 = arith.constant 0 : index
    tpu.barrier barrier_id(%barrier3A_108)
    %mul3A_109 = arith.constant 640 : i32
    %mul3A_110 = arith.muli %arg1, %mul3A_109 : i32
    %add3A_111 = arith.constant 0 : i32
    %add3A_112 = arith.addi %mul3A_110, %add3A_111 : i32
    "tpu.region"() ({
      %run_scoped3A_129 = tpu.sem_alloc : memref<!tpu.dma_semaphore, #tpu.memory_space<semaphore_mem>>
      %dma_start3A = arith.constant 0 : i32
      %dma_start3A_130 = tpu.memref_slice %arg7[%arg0, %add3A_112, %dma_start3A] : memref<2x10240x64xf32, #tpu.memory_space<hbm>> -> memref<1x128x64xf32, #tpu.memory_space<hbm>>
      %dma_start3A_131 = tpu.memref_squeeze %dma_start3A_130 : memref<1x128x64xf32, #tpu.memory_space<hbm>> -> memref<128x64xf32, #tpu.memory_space<hbm>>
      %dma_start3A_132 = arith.constant 0 : i32
      %dma_start3A_133 = tpu.memref_slice %arg14[%add3A_112, %dma_start3A_132] : memref<10240x64xf32, #tpu.memory_space<vmem_shared>> -> memref<128x64xf32, #tpu.memory_space<vmem_shared>>
      tpu.enqueue_dma source(%dma_start3A_133 : memref<128x64xf32, #tpu.memory_space<vmem_shared>>) target(%dma_start3A_131 : memref<128x64xf32, #tpu.memory_space<hbm>>) target_semaphore(%run_scoped3A_129 : memref<!tpu.dma_semaphore, #tpu.memory_space<semaphore_mem>>)
      %dma_wait3A = arith.constant 0 : i32
      %dma_wait3A_134 = tpu.memref_slice %arg7[%arg0, %add3A_112, %dma_wait3A] : memref<2x10240x64xf32, #tpu.memory_space<hbm>> -> memref<1x128x64xf32, #tpu.memory_space<hbm>>
      %dma_wait3A_135 = tpu.memref_squeeze %dma_wait3A_134 : memref<1x128x64xf32, #tpu.memory_space<hbm>> -> memref<128x64xf32, #tpu.memory_space<hbm>>
      %dma_wait3A_136 = arith.constant 0 : i32
      %dma_wait3A_137 = tpu.memref_slice %arg14[%add3A_112, %dma_wait3A_136] : memref<10240x64xf32, #tpu.memory_space<vmem_shared>> -> memref<128x64xf32, #tpu.memory_space<vmem_shared>>
      tpu.wait_dma2 semaphore(%run_scoped3A_129 : memref<!tpu.dma_semaphore, #tpu.memory_space<semaphore_mem>>) src(%dma_wait3A_137 : memref<128x64xf32, #tpu.memory_space<vmem_shared>>) dst(%dma_wait3A_135 : memref<128x64xf32, #tpu.memory_space<hbm>>)
      tpu.yield
    }) : () -> ()
    %mul3A_113 = arith.constant 640 : i32
    %mul3A_114 = arith.muli %arg1, %mul3A_113 : i32
    %add3A_115 = arith.constant 128 : i32
    %add3A_116 = arith.addi %mul3A_114, %add3A_115 : i32
    "tpu.region"() ({
      %run_scoped3A_129 = tpu.sem_alloc : memref<!tpu.dma_semaphore, #tpu.memory_space<semaphore_mem>>
      %dma_start3A = arith.constant 0 : i32
      %dma_start3A_130 = tpu.memref_slice %arg7[%arg0, %add3A_116, %dma_start3A] : memref<2x10240x64xf32, #tpu.memory_space<hbm>> -> memref<1x128x64xf32, #tpu.memory_space<hbm>>
      %dma_start3A_131 = tpu.memref_squeeze %dma_start3A_130 : memref<1x128x64xf32, #tpu.memory_space<hbm>> -> memref<128x64xf32, #tpu.memory_space<hbm>>
      %dma_start3A_132 = arith.constant 0 : i32
      %dma_start3A_133 = tpu.memref_slice %arg14[%add3A_116, %dma_start3A_132] : memref<10240x64xf32, #tpu.memory_space<vmem_shared>> -> memref<128x64xf32, #tpu.memory_space<vmem_shared>>
      tpu.enqueue_dma source(%dma_start3A_133 : memref<128x64xf32, #tpu.memory_space<vmem_shared>>) target(%dma_start3A_131 : memref<128x64xf32, #tpu.memory_space<hbm>>) target_semaphore(%run_scoped3A_129 : memref<!tpu.dma_semaphore, #tpu.memory_space<semaphore_mem>>)
      %dma_wait3A = arith.constant 0 : i32
      %dma_wait3A_134 = tpu.memref_slice %arg7[%arg0, %add3A_116, %dma_wait3A] : memref<2x10240x64xf32, #tpu.memory_space<hbm>> -> memref<1x128x64xf32, #tpu.memory_space<hbm>>
      %dma_wait3A_135 = tpu.memref_squeeze %dma_wait3A_134 : memref<1x128x64xf32, #tpu.memory_space<hbm>> -> memref<128x64xf32, #tpu.memory_space<hbm>>
      %dma_wait3A_136 = arith.constant 0 : i32
      %dma_wait3A_137 = tpu.memref_slice %arg14[%add3A_116, %dma_wait3A_136] : memref<10240x64xf32, #tpu.memory_space<vmem_shared>> -> memref<128x64xf32, #tpu.memory_space<vmem_shared>>
      tpu.wait_dma2 semaphore(%run_scoped3A_129 : memref<!tpu.dma_semaphore, #tpu.memory_space<semaphore_mem>>) src(%dma_wait3A_137 : memref<128x64xf32, #tpu.memory_space<vmem_shared>>) dst(%dma_wait3A_135 : memref<128x64xf32, #tpu.memory_space<hbm>>)
      tpu.yield
    }) : () -> ()
    %mul3A_117 = arith.constant 640 : i32
    %mul3A_118 = arith.muli %arg1, %mul3A_117 : i32
    %add3A_119 = arith.constant 256 : i32
    %add3A_120 = arith.addi %mul3A_118, %add3A_119 : i32
    "tpu.region"() ({
      %run_scoped3A_129 = tpu.sem_alloc : memref<!tpu.dma_semaphore, #tpu.memory_space<semaphore_mem>>
      %dma_start3A = arith.constant 0 : i32
      %dma_start3A_130 = tpu.memref_slice %arg7[%arg0, %add3A_120, %dma_start3A] : memref<2x10240x64xf32, #tpu.memory_space<hbm>> -> memref<1x128x64xf32, #tpu.memory_space<hbm>>
      %dma_start3A_131 = tpu.memref_squeeze %dma_start3A_130 : memref<1x128x64xf32, #tpu.memory_space<hbm>> -> memref<128x64xf32, #tpu.memory_space<hbm>>
      %dma_start3A_132 = arith.constant 0 : i32
      %dma_start3A_133 = tpu.memref_slice %arg14[%add3A_120, %dma_start3A_132] : memref<10240x64xf32, #tpu.memory_space<vmem_shared>> -> memref<128x64xf32, #tpu.memory_space<vmem_shared>>
      tpu.enqueue_dma source(%dma_start3A_133 : memref<128x64xf32, #tpu.memory_space<vmem_shared>>) target(%dma_start3A_131 : memref<128x64xf32, #tpu.memory_space<hbm>>) target_semaphore(%run_scoped3A_129 : memref<!tpu.dma_semaphore, #tpu.memory_space<semaphore_mem>>)
      %dma_wait3A = arith.constant 0 : i32
      %dma_wait3A_134 = tpu.memref_slice %arg7[%arg0, %add3A_120, %dma_wait3A] : memref<2x10240x64xf32, #tpu.memory_space<hbm>> -> memref<1x128x64xf32, #tpu.memory_space<hbm>>
      %dma_wait3A_135 = tpu.memref_squeeze %dma_wait3A_134 : memref<1x128x64xf32, #tpu.memory_space<hbm>> -> memref<128x64xf32, #tpu.memory_space<hbm>>
      %dma_wait3A_136 = arith.constant 0 : i32
      %dma_wait3A_137 = tpu.memref_slice %arg14[%add3A_120, %dma_wait3A_136] : memref<10240x64xf32, #tpu.memory_space<vmem_shared>> -> memref<128x64xf32, #tpu.memory_space<vmem_shared>>
      tpu.wait_dma2 semaphore(%run_scoped3A_129 : memref<!tpu.dma_semaphore, #tpu.memory_space<semaphore_mem>>) src(%dma_wait3A_137 : memref<128x64xf32, #tpu.memory_space<vmem_shared>>) dst(%dma_wait3A_135 : memref<128x64xf32, #tpu.memory_space<hbm>>)
      tpu.yield
    }) : () -> ()
    %mul3A_121 = arith.constant 640 : i32
    %mul3A_122 = arith.muli %arg1, %mul3A_121 : i32
    %add3A_123 = arith.constant 384 : i32
    %add3A_124 = arith.addi %mul3A_122, %add3A_123 : i32
    "tpu.region"() ({
      %run_scoped3A_129 = tpu.sem_alloc : memref<!tpu.dma_semaphore, #tpu.memory_space<semaphore_mem>>
      %dma_start3A = arith.constant 0 : i32
      %dma_start3A_130 = tpu.memref_slice %arg7[%arg0, %add3A_124, %dma_start3A] : memref<2x10240x64xf32, #tpu.memory_space<hbm>> -> memref<1x128x64xf32, #tpu.memory_space<hbm>>
      %dma_start3A_131 = tpu.memref_squeeze %dma_start3A_130 : memref<1x128x64xf32, #tpu.memory_space<hbm>> -> memref<128x64xf32, #tpu.memory_space<hbm>>
      %dma_start3A_132 = arith.constant 0 : i32
      %dma_start3A_133 = tpu.memref_slice %arg14[%add3A_124, %dma_start3A_132] : memref<10240x64xf32, #tpu.memory_space<vmem_shared>> -> memref<128x64xf32, #tpu.memory_space<vmem_shared>>
      tpu.enqueue_dma source(%dma_start3A_133 : memref<128x64xf32, #tpu.memory_space<vmem_shared>>) target(%dma_start3A_131 : memref<128x64xf32, #tpu.memory_space<hbm>>) target_semaphore(%run_scoped3A_129 : memref<!tpu.dma_semaphore, #tpu.memory_space<semaphore_mem>>)
      %dma_wait3A = arith.constant 0 : i32
      %dma_wait3A_134 = tpu.memref_slice %arg7[%arg0, %add3A_124, %dma_wait3A] : memref<2x10240x64xf32, #tpu.memory_space<hbm>> -> memref<1x128x64xf32, #tpu.memory_space<hbm>>
      %dma_wait3A_135 = tpu.memref_squeeze %dma_wait3A_134 : memref<1x128x64xf32, #tpu.memory_space<hbm>> -> memref<128x64xf32, #tpu.memory_space<hbm>>
      %dma_wait3A_136 = arith.constant 0 : i32
      %dma_wait3A_137 = tpu.memref_slice %arg14[%add3A_124, %dma_wait3A_136] : memref<10240x64xf32, #tpu.memory_space<vmem_shared>> -> memref<128x64xf32, #tpu.memory_space<vmem_shared>>
      tpu.wait_dma2 semaphore(%run_scoped3A_129 : memref<!tpu.dma_semaphore, #tpu.memory_space<semaphore_mem>>) src(%dma_wait3A_137 : memref<128x64xf32, #tpu.memory_space<vmem_shared>>) dst(%dma_wait3A_135 : memref<128x64xf32, #tpu.memory_space<hbm>>)
      tpu.yield
    }) : () -> ()
    %mul3A_125 = arith.constant 640 : i32
    %mul3A_126 = arith.muli %arg1, %mul3A_125 : i32
    %add3A_127 = arith.constant 512 : i32
    %add3A_128 = arith.addi %mul3A_126, %add3A_127 : i32
    "tpu.region"() ({
      %run_scoped3A_129 = tpu.sem_alloc : memref<!tpu.dma_semaphore, #tpu.memory_space<semaphore_mem>>
      %dma_start3A = arith.constant 0 : i32
      %dma_start3A_130 = tpu.memref_slice %arg7[%arg0, %add3A_128, %dma_start3A] : memref<2x10240x64xf32, #tpu.memory_space<hbm>> -> memref<1x128x64xf32, #tpu.memory_space<hbm>>
      %dma_start3A_131 = tpu.memref_squeeze %dma_start3A_130 : memref<1x128x64xf32, #tpu.memory_space<hbm>> -> memref<128x64xf32, #tpu.memory_space<hbm>>
      %dma_start3A_132 = arith.constant 0 : i32
      %dma_start3A_133 = tpu.memref_slice %arg14[%add3A_128, %dma_start3A_132] : memref<10240x64xf32, #tpu.memory_space<vmem_shared>> -> memref<128x64xf32, #tpu.memory_space<vmem_shared>>
      tpu.enqueue_dma source(%dma_start3A_133 : memref<128x64xf32, #tpu.memory_space<vmem_shared>>) target(%dma_start3A_131 : memref<128x64xf32, #tpu.memory_space<hbm>>) target_semaphore(%run_scoped3A_129 : memref<!tpu.dma_semaphore, #tpu.memory_space<semaphore_mem>>)
      %dma_wait3A = arith.constant 0 : i32
      %dma_wait3A_134 = tpu.memref_slice %arg7[%arg0, %add3A_128, %dma_wait3A] : memref<2x10240x64xf32, #tpu.memory_space<hbm>> -> memref<1x128x64xf32, #tpu.memory_space<hbm>>
      %dma_wait3A_135 = tpu.memref_squeeze %dma_wait3A_134 : memref<1x128x64xf32, #tpu.memory_space<hbm>> -> memref<128x64xf32, #tpu.memory_space<hbm>>
      %dma_wait3A_136 = arith.constant 0 : i32
      %dma_wait3A_137 = tpu.memref_slice %arg14[%add3A_128, %dma_wait3A_136] : memref<10240x64xf32, #tpu.memory_space<vmem_shared>> -> memref<128x64xf32, #tpu.memory_space<vmem_shared>>
      tpu.wait_dma2 semaphore(%run_scoped3A_129 : memref<!tpu.dma_semaphore, #tpu.memory_space<semaphore_mem>>) src(%dma_wait3A_137 : memref<128x64xf32, #tpu.memory_space<vmem_shared>>) dst(%dma_wait3A_135 : memref<128x64xf32, #tpu.memory_space<hbm>>)
      tpu.yield
    }) : () -> ()
    return
  }
}

module attributes {stable_mosaic.version = 14 : i64} {
  func.func @_tc_body(%arg0: i32, %arg1: memref<400x128xf32, #tpu.memory_space<vmem>>, %arg2: memref<400x64xf32, #tpu.memory_space<vmem>>, %arg3: memref<400x64xf32, #tpu.memory_space<vmem>>, %arg4: memref<128x256xf32, #tpu.memory_space<vmem>>, %arg5: memref<128x256xf32, #tpu.memory_space<vmem>>, %arg6: memref<1x128xf32, #tpu.memory_space<vmem>>, %arg7: memref<1x128xf32, #tpu.memory_space<vmem>>, %arg8: memref<128x1xf32, #tpu.memory_space<vmem>>, %arg9: memref<1x1xf32, #tpu.memory_space<vmem>>, %arg10: memref<400x1xf32, #tpu.memory_space<vmem>>) attributes {dimension_semantics = [#tpu.dimension_semantics<arbitrary>], iteration_bounds = array<i64: 25>, scalar_prefetch = 0 : i64, scratch_operands = 0 : i64, tpu.core_type = #tpu.core_type<tc>, window_params = [{transform_indices = @transform_0, window_bounds = array<i64: 400, 128>}, {transform_indices = @transform_1, window_bounds = array<i64: 400, 64>}, {transform_indices = @transform_2, window_bounds = array<i64: 400, 64>}, {pipeline_mode = #tpu.pipeline_mode<synchronous>, transform_indices = @transform_3, window_bounds = array<i64: 128, 256>}, {pipeline_mode = #tpu.pipeline_mode<synchronous>, transform_indices = @transform_4, window_bounds = array<i64: 128, 256>}, {pipeline_mode = #tpu.pipeline_mode<synchronous>, transform_indices = @transform_5, window_bounds = array<i64: 1, 128>}, {pipeline_mode = #tpu.pipeline_mode<synchronous>, transform_indices = @transform_6, window_bounds = array<i64: 1, 128>}, {pipeline_mode = #tpu.pipeline_mode<synchronous>, transform_indices = @transform_7, window_bounds = array<i64: 128, 1>}, {pipeline_mode = #tpu.pipeline_mode<synchronous>, transform_indices = @transform_8, window_bounds = array<i64: 1, 1>}, {transform_indices = @transform_9, window_bounds = array<i64: 400, 1>}]} {
    %get3A = arith.constant 0 : index
    %get3A_0 = arith.constant 0 : index
    %get3A_1 = vector.load %arg2[%get3A, %get3A_0] : memref<400x64xf32, #tpu.memory_space<vmem>>, vector<400x64xf32>
    %get3A_2 = arith.constant 0 : index
    %get3A_3 = arith.constant 0 : index
    %get3A_4 = vector.load %arg3[%get3A_2, %get3A_3] : memref<400x64xf32, #tpu.memory_space<vmem>>, vector<400x64xf32>
    %concatenate3A = tpu.concatenate %get3A_1, %get3A_4 in 1 : vector<400x64xf32>, vector<400x64xf32> -> vector<400x128xf32>
    %get3A_5 = arith.constant 0 : index
    %get3A_6 = arith.constant 0 : index
    %get3A_7 = vector.load %arg1[%get3A_5, %get3A_6] : memref<400x128xf32, #tpu.memory_space<vmem>>, vector<400x128xf32>
    %get3A_8 = arith.constant 0 : index
    %get3A_9 = arith.constant 0 : index
    %get3A_10 = vector.load %arg4[%get3A_8, %get3A_9] : memref<128x256xf32, #tpu.memory_space<vmem>>, vector<128x256xf32>
    %dot_general3A = arith.constant dense<0.000000e+00> : vector<400x256xf32>
    %dot_general3A_11 = tpu.matmul %get3A_7, %get3A_10, %dot_general3A {dimension_numbers = #tpu.dot_dimension_numbers<[1], [0], [0], [1], [0, 0, 1, 1], [], []>, transpose_lhs_hint = false} : vector<400x128xf32>, vector<128x256xf32>, vector<400x256xf32> -> vector<400x256xf32>
    %get3A_12 = arith.constant 0 : index
    %get3A_13 = arith.constant 0 : index
    %get3A_14 = vector.load %arg5[%get3A_12, %get3A_13] : memref<128x256xf32, #tpu.memory_space<vmem>>, vector<128x256xf32>
    %dot_general3A_15 = arith.constant dense<0.000000e+00> : vector<400x256xf32>
    %dot_general3A_16 = tpu.matmul %concatenate3A, %get3A_14, %dot_general3A_15 {dimension_numbers = #tpu.dot_dimension_numbers<[1], [0], [0], [1], [0, 0, 1, 1], [], []>, transpose_lhs_hint = false} : vector<400x128xf32>, vector<128x256xf32>, vector<400x256xf32> -> vector<400x256xf32>
    %add3A = arith.addf %dot_general3A_11, %dot_general3A_16 : vector<400x256xf32>
    %slice3A = vector.extract_strided_slice %add3A {offsets = [0, 0], sizes = [400, 128], strides = [1, 1]} : vector<400x256xf32> to vector<400x128xf32>
    %get3A_17 = arith.constant 0 : index
    %get3A_18 = arith.constant 0 : index
    %get3A_19 = vector.load %arg6[%get3A_17, %get3A_18] : memref<1x128xf32, #tpu.memory_space<vmem>>, vector<1x128xf32>
    %add3A_20 = vector.broadcast %get3A_19 : vector<1x128xf32> to vector<400x128xf32>
    %add3A_21 = arith.addf %slice3A, %add3A_20 : vector<400x128xf32>
    %logistic3A = arith.negf %add3A_21 : vector<400x128xf32>
    %logistic3A_22 = math.exp %logistic3A : vector<400x128xf32>
    %logistic3A_23 = arith.constant 1.000000e+00 : f32
    %logistic3A_24 = vector.broadcast %logistic3A_23 : f32 to vector<400x128xf32>
    %logistic3A_25 = arith.addf %logistic3A_24, %logistic3A_22 : vector<400x128xf32>
    %logistic3A_26 = arith.divf %logistic3A_24, %logistic3A_25 : vector<400x128xf32>
    %slice3A_27 = vector.extract_strided_slice %add3A {offsets = [0, 128], sizes = [400, 128], strides = [1, 1]} : vector<400x256xf32> to vector<400x128xf32>
    %get3A_28 = arith.constant 0 : index
    %get3A_29 = arith.constant 0 : index
    %get3A_30 = vector.load %arg7[%get3A_28, %get3A_29] : memref<1x128xf32, #tpu.memory_space<vmem>>, vector<1x128xf32>
    %add3A_31 = vector.broadcast %get3A_30 : vector<1x128xf32> to vector<400x128xf32>
    %add3A_32 = arith.addf %slice3A_27, %add3A_31 : vector<400x128xf32>
    %tanh3A = math.tanh %add3A_32 : vector<400x128xf32>
    %sub3A = arith.constant 1.000000e+00 : f32
    %sub3A_33 = vector.broadcast %sub3A : f32 to vector<400x128xf32>
    %sub3A_34 = arith.subf %sub3A_33, %logistic3A_26 : vector<400x128xf32>
    %mul3A = arith.mulf %sub3A_34, %tanh3A : vector<400x128xf32>
    %max3A = arith.constant 0.000000e+00 : f32
    %max3A_35 = vector.broadcast %max3A : f32 to vector<400x128xf32>
    %max3A_36 = arith.maximumf %mul3A, %max3A_35 : vector<400x128xf32>
    %get3A_37 = arith.constant 0 : index
    %get3A_38 = arith.constant 0 : index
    %get3A_39 = vector.load %arg8[%get3A_37, %get3A_38] : memref<128x1xf32, #tpu.memory_space<vmem>>, vector<128x1xf32>
    %dot_general3A_40 = arith.constant dense<0.000000e+00> : vector<400x1xf32>
    %dot_general3A_41 = tpu.matmul %max3A_36, %get3A_39, %dot_general3A_40 {dimension_numbers = #tpu.dot_dimension_numbers<[1], [0], [0], [1], [0, 0, 1, 1], [], []>, transpose_lhs_hint = false} : vector<400x128xf32>, vector<128x1xf32>, vector<400x1xf32> -> vector<400x1xf32>
    %get3A_42 = arith.constant 0 : index
    %get3A_43 = arith.constant 0 : index
    %get3A_44 = vector.load %arg9[%get3A_42, %get3A_43] : memref<1x1xf32, #tpu.memory_space<vmem>>, vector<1x1xf32>
    %add3A_45 = vector.broadcast %get3A_44 : vector<1x1xf32> to vector<400x1xf32>
    %add3A_46 = arith.addf %dot_general3A_41, %add3A_45 : vector<400x1xf32>
    %swap3A = arith.constant 0 : index
    %swap3A_47 = arith.constant 0 : index
    %swap3A_48 = vector.load %arg10[%swap3A, %swap3A_47] : memref<400x1xf32, #tpu.memory_space<vmem>>, vector<400x1xf32>
    tpu.vector_store %arg10[%swap3A, %swap3A_47], %add3A_46 {strides = array<i32>} : memref<400x1xf32, #tpu.memory_space<vmem>>, vector<400x1xf32>,
    return
  }
  func.func @transform_0(%arg0: i32) -> (i32, i32) {
    %c0_i32 = arith.constant 0 : i32
    %c0_i32_0 = arith.constant 0 : i32
    return %arg0, %c0_i32 : i32, i32
  }
  func.func @transform_1(%arg0: i32) -> (i32, i32) {
    %c0_i32 = arith.constant 0 : i32
    %c0_i32_0 = arith.constant 0 : i32
    return %arg0, %c0_i32 : i32, i32
  }
  func.func @transform_2(%arg0: i32) -> (i32, i32) {
    %c0_i32 = arith.constant 0 : i32
    %c0_i32_0 = arith.constant 0 : i32
    return %arg0, %c0_i32 : i32, i32
  }
  func.func @transform_3(%arg0: i32) -> (i32, i32) {
    %c0_i32 = arith.constant 0 : i32
    %c0_i32_0 = arith.constant 0 : i32
    %c0_i32_1 = arith.constant 0 : i32
    return %c0_i32, %c0_i32_0 : i32, i32
  }
  func.func @transform_4(%arg0: i32) -> (i32, i32) {
    %c0_i32 = arith.constant 0 : i32
    %c0_i32_0 = arith.constant 0 : i32
    %c0_i32_1 = arith.constant 0 : i32
    return %c0_i32, %c0_i32_0 : i32, i32
  }
  func.func @transform_5(%arg0: i32) -> (i32, i32) {
    %c0_i32 = arith.constant 0 : i32
    %c0_i32_0 = arith.constant 0 : i32
    %c0_i32_1 = arith.constant 0 : i32
    return %c0_i32, %c0_i32_0 : i32, i32
  }
  func.func @transform_6(%arg0: i32) -> (i32, i32) {
    %c0_i32 = arith.constant 0 : i32
    %c0_i32_0 = arith.constant 0 : i32
    %c0_i32_1 = arith.constant 0 : i32
    return %c0_i32, %c0_i32_0 : i32, i32
  }
  func.func @transform_7(%arg0: i32) -> (i32, i32) {
    %c0_i32 = arith.constant 0 : i32
    %c0_i32_0 = arith.constant 0 : i32
    %c0_i32_1 = arith.constant 0 : i32
    return %c0_i32, %c0_i32_0 : i32, i32
  }
  func.func @transform_8(%arg0: i32) -> (i32, i32) {
    %c0_i32 = arith.constant 0 : i32
    %c0_i32_0 = arith.constant 0 : i32
    %c0_i32_1 = arith.constant 0 : i32
    return %c0_i32, %c0_i32_0 : i32, i32
  }
  func.func @transform_9(%arg0: i32) -> (i32, i32) {
    %c0_i32 = arith.constant 0 : i32
    %c0_i32_0 = arith.constant 0 : i32
    return %arg0, %c0_i32 : i32, i32
  }
}

</mosaic_0001>

<sc_bundles>
// kernel: kernel.4.cloned.1.call-start
scs
__scs_entry_jumppad:
0x0: {  	(pc) =	sbr.rel $0x88, $3  }
0x1: {  	(tag) =	ssettag $0x0;
	lr =	simm.s32 $0x1  }
0x2: {  	[smem:$0x3F94] =	sst lr;
	_ =	strace $0xD0000000  }
0x3: {  	_ = 	snop  }
0x4: {  	_ = 	snop  }
0x5: {  	_ = 	snop  }
0x6: {  	_ = 	snop  }
0x7: {  	_ = 	snop  }
__scs_overlays_trampoline_lowered:
0x8: {  	[smem:$0x3FA3] =	sst s0  }
0x9: {  	[smem:$0x3FA4] =	sst s1  }
0xa: {  	[smem:$0x3FA5] =	sst s2  }
0xb: {  	[smem:$0x3FA6] =	sst s3  }
0xc: {  	[smem:$0x3FA7] =	sst s4  }
0xd: {  	[smem:$0x3FA8] =	sst s5  }
0xe: {  	[smem:$0x3FA9] =	sst s6  }
0xf: {  	[smem:$0x3FAA] =	sst s7  }
0x10: {  	[smem:$0x3FAB] =	sst s8  }
0x11: {  	[smem:$0x3FAC] =	sst s9;
	s0 =	simm.s32 @!p0 $0x0  }
0x12: {  	s1 =	sld [smem:$0x3F92];
	s0 =	simm.s32 @p0 $0x1  }
0x13: {  	[smem:$0x3FAD] =	sst s0;
	s0 =	simm.s32 @!p1 $0x0  }
0x14: {  	s2 =	sld [smem:$0x3F91];
	s0 =	simm.s32 @p1 $0x1  }
0x15: {  	[smem:$0x3FAE] =	sst s0;
	s0 =	simm.s32 @!p2 $0x0  }
0x16: {  	s3 =	sld [smem:$0x3FDB];
	s0 =	simm.s32 @p2 $0x1  }
0x17: {  	s4 =	simm.s32 $0x1BF5;
	[smem:$0x3FB0] =	sst s0  }
0x18: {  	s0 =	sld [smem:$0x3F93];
	_ =	swait.ge [sflag:s4], $0x0  }
0x19: {  	s7 =	sld [smem:$0x3F94]  }
0x1a: {  	s8 =	sadd.s32 $0xFFFFE003, lr  }
0x1b: {  	s9 =	sadd.s32 $0xFFFFFEF7, lr;
	s5 =	simm.s32 $0xFFFFFFFF;
	p2 =	slt.u32 s8, $0xFFFFF086  }
0x1c: {  	p1 =	slt.u32 s9, $0xF7A;
	s5 =	simm.s32 @!p2 $0x0  }
0x1d: {  	s5 =	simm.s32 @p1 $0x1;
	p0 =	seq.s32 s7, s2  }
0x1e: {  	s7 =	smul.u32 @!p0 $0xF7A, s2;
	p2 =	seq.s32 @!p0 s5, $0x0  }
0x1f: {  	s9 =	smul.u32 $0xF7A, s1;
	s8 =	simm.s32 @!p0 $0x1BF5;
	p2 =	por !p2, p0  }
0x20: {  	[sflag:s8] =	ssyncset.s32 @!p0 $0xFFFFF086;
	s6 =	sadd.s32 @!p0 s3, s7;
	s7 =	simm.s32 @!p0 $0x108  }
0x21: {  	s3 =	sadd.s32 s3, s9;
	s6 =	sadd.s32 @!p0 $0x88, s6;
	s7 =	simm.s32 @p2 $0x1082  }
0x22: {  	[simem:s7], [sflag:s8] =	dma.local @!p0 [hbm:s6], $0xF7A  }
0x23: {  	s9 =	sor.u32 $0xD0000000, s2;
	s6 =	simm.s32 $0x108;
	_ =	swait.ge @!p0 [sflag:s8], $0x0  }
0x24: {  	s3 =	sadd.s32 $0x88, s3;
	s6 =	simm.s32 @!p1 $0x1082;
	[sflag:s4] =	ssyncset.s32 $0xFFFFF086  }
0x25: {  	[simem:s6], [sflag:s4] =	dma.local [hbm:s3], $0xF7A  }
0x26: {  	[smem:$0x3F94] =	sst s1;
	(tag) =	ssettag s2;
	_ =	strace s9  }
0x27: {  	s1 =	sld [smem:$0x3FA4]  }
0x28: {  	s2 =	sld [smem:$0x3FA5]  }
0x29: {  	s4 =	sld [smem:$0x3FA7]  }
0x2a: {  	p0 =	seq.s32 s5, $0x0;
	s5 =	sld [smem:$0x3FA8]  }
0x2b: {  	s6 =	sld [smem:$0x3FA9]  }
0x2c: {  	s7 =	sld [smem:$0x3FAA]  }
0x2d: {  	s3 =	simm.s32 $0x108;
	s8 =	sld [smem:$0x3FAB]  }
0x2e: {  	s3 =	simm.s32 @!p0 $0x1082;
	s9 =	sld [smem:$0x3FAC]  }
0x2f: {  	lr =	sadd.s32 s0, s3;
	s0 =	sld [smem:$0x3FA3]  }
0x30: {  	s3 =	sld [smem:$0x3FA6]  }
0x31: {  	[smem:$0x3FAF] =	sst s10  }
0x32: {  	s10 =	sld [smem:$0x3FAD];
	_ =	sdelay $0x3  }
0x33: {  	p0 =	seq.s32 s10, $0x1;
	s10 =	sld [smem:$0x3FAF];
	_ =	sdelay $0x3  }
0x34: {  	[smem:$0x3FAF] =	sst s10  }
0x35: {  	s10 =	sld [smem:$0x3FAE];
	_ =	sdelay $0x3  }
0x36: {  	p1 =	seq.s32 s10, $0x1;
	s10 =	sld [smem:$0x3FAF];
	_ =	sdelay $0x3  }
0x37: {  	[smem:$0x3FAF] =	sst s10  }
0x38: {  	s10 =	sld [smem:$0x3FB0]  }
0x39: {  	_ = 	snop;
	(pc) =	sbr.ind lr, $3  }
0x3a: {  	_ = 	snop  }
0x3b: {  	_ = 	snop  }
0x3c: {  	p2 =	seq.s32 s10, $0x1;
	s10 =	sld [smem:$0x3FAF]  }
0x3d: {  	_ =	shalt  }
0x3e: {  	_ =	shalt  }
0x3f: {  	_ =	shalt  }
0x40: {  	_ =	shalt  }
0x41: {  	_ =	shalt  }
0x42: {  	_ =	shalt  }
0x43: {  	_ =	shalt  }
0x44: {  	_ =	shalt  }
0x45: {  	_ =	shalt  }
0x46: {  	_ =	shalt  }
0x47: {  	_ =	shalt  }
0x48: {  	_ =	shalt  }
0x49: {  	_ =	shalt  }
0x4a: {  	_ =	shalt  }
0x4b: {  	_ =	shalt  }
0x4c: {  	_ =	shalt  }
0x4d: {  	_ =	shalt  }
0x4e: {  	_ =	shalt  }
0x4f: {  	_ =	shalt  }
0x50: {  	_ =	shalt  }
0x51: {  	_ =	shalt  }
0x52: {  	_ =	shalt  }
0x53: {  	_ =	shalt  }
0x54: {  	_ =	shalt  }
0x55: {  	_ =	shalt  }
0x56: {  	_ =	shalt  }
0x57: {  	_ =	shalt  }
0x58: {  	_ =	shalt  }
0x59: {  	_ =	shalt  }
0x5a: {  	_ =	shalt  }
0x5b: {  	_ =	shalt  }
0x5c: {  	_ =	shalt  }
0x5d: {  	_ =	shalt  }
0x5e: {  	_ =	shalt  }
0x5f: {  	_ =	shalt  }
0x60: {  	_ =	shalt  }
0x61: {  	_ =	shalt  }
0x62: {  	_ =	shalt  }
0x63: {  	_ =	shalt  }
0x64: {  	_ =	shalt  }
0x65: {  	_ =	shalt  }
0x66: {  	_ =	shalt  }
0x67: {  	_ =	shalt  }
0x68: {  	_ =	shalt  }
0x69: {  	_ =	shalt  }
0x6a: {  	_ =	shalt  }
0x6b: {  	_ =	shalt  }
0x6c: {  	_ =	shalt  }
0x6d: {  	_ =	shalt  }
0x6e: {  	_ =	shalt  }
0x6f: {  	_ =	shalt  }
0x70: {  	_ =	shalt  }
0x71: {  	_ =	shalt  }
0x72: {  	_ =	shalt  }
0x73: {  	_ =	shalt  }
0x74: {  	_ =	shalt  }
0x75: {  	_ =	shalt  }
0x76: {  	_ =	shalt  }
0x77: {  	_ =	shalt  }
0x78: {  	_ =	shalt  }
0x79: {  	_ =	shalt  }
0x7a: {  	_ =	shalt  }
0x7b: {  	_ =	shalt  }
0x7c: {  	_ =	shalt  }
0x7d: {  	_ =	shalt  }
0x7e: {  	_ =	shalt  }
0x7f: {  	_ =	shalt  }
0x80: {  	_ =	shalt  }
0x81: {  	_ =	shalt  }
0x82: {  	_ =	shalt  }
0x83: {  	_ =	shalt  }
0x84: {  	_ =	shalt  }
0x85: {  	_ =	shalt  }
0x86: {  	_ =	shalt  }
0x87: {  	_ =	shalt  }
.Lfunc_end0:
.L_simem_size_0:
called_computation_lowered:
.L_overlay_start_0:
0x88: {  	s2 =	sld [smem:$0x3FD9]  }
0x89: {  	s3 =	sld [smem:$0x3FFE];
	_ =	sdelay $0x1  }
0x8a: {  	s1 =	srdreg.scid  }
0x8b: {  	s0 =	sand.u32 $0x1, s1  }
0x8c: {  	s16 =	sshll.u32 s0, $0xA;
	s2 =	sadd.s32 s3, s2  }
0x8d: {  	s2 =	sadd.s32 s2, s16  }
0x8e: {  	[smem:$0x3FBB] =	sst s2  }
0x8f: {  	_ = 	snop  }
0x90: {  	(tm) =	ssettm $0x1  }
0x91: {  	s17 =	sld [smem:$0x3FFB];
	_ =	sdelay $0x3  }
0x92: {  	_ =	strace s17  }
0x93: {  	s2 =	sld [smem:$0x3FFC];
	_ =	sdelay $0x3  }
0x94: {  	_ =	strace s2  }
0x95: {  	s2 =	sld [smem:$0x3FFD];
	_ =	sdelay $0x3  }
0x96: {  	_ =	strace s2  }
0x97: {  	_ =	strace $0x8FFFFFFF  }
0x98: {  	s18 =	sld [smem:$0x3FDB];
	_ =	sdelay $0x1  }
0x99: {  	s19 =	simm.s32 $_scs_section_size  }
0x9a: {  	s4 =	simm.s32 $_size__tile_overlayer_lowered;
	s5 =	simm.s32 $_tile_overlayer_lowered  }
0x9b: {  	s22 =	simm.s32 $0x1BFF;
	s21 =	sshll.u32 s5, $0x1;
	s2 =	sadd.s32 s19, s18  }
0x9c: {  	s6 =	simm.s32 $0x0;
	s20 =	sshll.u32 s4, $0x1;
	s4 =	sadd.s32 s21, s2  }
0x9d: {  	[timem:s6], [sflag:s22] =	dma.local [hbm:s4], s20  }
0x9e: {  	_ =	swait.ge [sflag:s22], s20  }
0x9f: {  	s3 =	ssub.s32 $0x0, s20;
	[sflag:s22] =	ssyncset.done $0x0  }
0xa0: {  	[sflag:s22] =	ssyncadd.s32 s3;
	_ =	sdelay $0x1  }
0xa1: {  	s23 =	simm.s32 $0x1B8B  }
0xa2: {  	_ =	swait.ge [sflag:s23], $0x1  }
0xa3: {  	[sflag:s23] =	ssyncset.done $0x0  }
0xa4: {  	s25 =	simm.s32 $0x1B8E;
	s24 =	sld [smem:$0x3FFE];
	[sflag:s23] =	ssyncadd.s32 $0xFFFFFFFF  }
0xa5: {  	s26 =	simm.s32 $execute0_lowered;
	[smem:$0x3FD2] =	sst s25  }
0xa6: {  	s4 =	sshll.u32 s26, $0x1;
	_ =	strace $0x80000046;
	[dreg:$0x1] =	wrdreg $0xFFFFFFFF  }
0xa7: {  	s28 =	simm.s32 $_size_execute0_lowered;
	s2 =	sadd.s32 s2, s4;
	[dreg:$0x0] =	wrdreg $0x0  }
0xa8: {  	s4 =	sshll.u32 s28, $0x1;
	[dreg:$0x2] =	wrdreg s2  }
0xa9: {  	[dreg:$0x3] =	wrdreg s4  }
0xaa: {  	[dreg:$0x4] =	wrdreg $0xC0  }
0xab: {  	_ =	task [dreg:s6], $0x5FFFF  }
0xac: {  	[dreg:$0x1] =	wrdreg $0xFFFFFFFF  }
0xad: {  	[dreg:$0x0] =	wrdreg $0x60  }
0xae: {  	[dreg:$0x2] =	wrdreg s24  }
0xaf: {  	[dreg:$0x3] =	wrdreg $0x13A800  }
0xb0: {  	[dreg:$0x4] =	wrdreg $0x138000  }
0xb1: {  	[dreg:$0x5] =	wrdreg $0x9  }
0xb2: {  	_ =	task.clear_ibuf [dreg:s6], $0x6FFFF;
	_ =	strace $0x90000046  }
0xb3: {  	s29 =	simm.s32 $0x9;
	_ =	strace $0x80000048  }
0xb4: {  	_ =	swait.ge [sflag:s29], $0x1  }
0xb5: {  	[sflag:s29] =	ssyncadd.s32 $0xFFFFFFFF  }
0xb6: {  	_ =	strace $0x90000048  }
0xb7: {  	_ =	sfence  }
0xb8: {  	s30 =	sld [smem:$0x0];
	_ =	sdelay $0x2  }
0xb9: {  	s31 =	sshll.u32 s1, $0xD;
	s1 =	sshrl.u32 s1, $0x2  }
0xba: {  	s3 =	sand.u32 $0x4000, s31;
	s1 =	sadd.s32 s1, s30  }
0xbb: {  	s0 =	sor.u32 s3, s0;
	s1 =	sshll.u32 s1, $0x11  }
0xbc: {  	s0 =	sor.u32 s1, s0  }
0xbd: {  	s0 =	sadd.s32 $0x8F2B, s0  }
0xbe: {  	[sflag:s0] =	ssyncadd.remote.s32 $0x1  }
0xbf: {  	_ =	sfence.sel $0xFFFF  }
0xc0: {  	[dreg:$0x0] =	wrdreg $0xFFFFFFFF;
	(pc) =	sbr.abs _section_cstart, $3  }
0xc1: {  	[dreg:$0x1] =	wrdreg $0xFFFFFFFF  }
0xc2: {  	_ =	task.clear_ibuf [dreg:s6], $0x2FFFF;
	_ =	strace $0x9FFFFFFF  }
0xc3: {  	(tm) =	ssettm $0x7FFFFFFF  }
tec
execute0_lowered:
.L_overlay_start_1:
0x0: {  	(tag) =	ssettag $0x1  }
0x1: {  	s0 =	rddreg [dreg:$0x0]  }
0x2: {  	s2 =	rddreg [dreg:$0x1]  }
0x3: {  	s3 =	rddreg [dreg:$0x2]  }
0x4: {  	s8 =	stileid.u32;
	s4 =	simm.s32 $0x0;
	s6 =	srdreg.scid  }
0x5: {  	s1 =	smul.u32 $0xA00, s8;
	[smem:$0x7FF] =	sst s4;
	s5 =	sadd.s32 $0x15C00, s0  }
0x6: {  	s12 =	sand.u32 $0x1, s6;
	s13 =	smul.u32 $0x280, s8;
	s6 =	sadd.s32 $0x2200, s0  }
0x7: {  	s14 =	smul.u32 $0xA000, s8;
	_ =	strace $0x80000047;
	s7 =	ssub.s32 $0x2, s12  }
0x8: {  	p0 =	seq.s32 s12, $0x1;
	s24 =	smul.u32 $0xA0000, s12;
	s1 =	sadd.s32 s1, s0  }
0x9: {  	s0 =	sadd.s32 $0x47600, s0;
	s11 =	sshrl.u32 s7, $0x1;
	s15 =	sadd.s32 $0x80, s13  }
0xa: {  	s18 =	sadd.s32 $0x100, s13;
	s19 =	sadd.s32 $0x180, s13;
	s22 =	sadd.s32 $0x200, s13  }
0xb: {  	s12 =	sadd.s32 s13, s3;
	s16 =	ssub.s32 s7, s11;
	s7 =	sadd.s32 s14, s2  }
0xc: {  	s17 =	sshll.u32 s15, $0x6;
	s20 =	sshll.u32 s18, $0x6;
	s21 =	sshll.u32 s19, $0x6  }
0xd: {  	s23 =	sshll.u32 s22, $0x6;
	s15 =	sadd.s32 s15, s3;
	s25 =	sadd.s32 s18, s3  }
0xe: {  	s26 =	sadd.s32 s19, s3;
	s14 =	sadd.s32 s14, s24;
	s19 =	sadd.s32 s22, s3  }
0xf: {  	s28 =	sadd.s32 $0xC0, s12;
	s29 =	sadd.s32 $0x140, s12;
	s30 =	sadd.s32 $0x1C0, s12  }
0x10: {  	s31 =	sadd.s32 $0x240, s12;
	s8 =	sadd.s32 s17, s2;
	[dreg:$0x4] =	wrdreg s15  }
0x11: {  	s9 =	sadd.s32 s20, s2;
	s10 =	sadd.s32 s21, s2;
	[dreg:$0x5] =	wrdreg s25  }
0x12: {  	s11 =	sadd.s32 s23, s2;
	[dreg:$0x6] =	wrdreg s26;
	s18 =	sadd.s32 s24, s17  }
0x13: {  	[dreg:$0x7] =	wrdreg s19;
	s13 =	sshrl.u32 s14, $0x3;
	s22 =	sadd.s32 s24, s20  }
0x14: {  	s25 =	sadd.s32 s24, s21;
	s26 =	sadd.s32 s24, s23;
	s20 =	sadd.s32 $0x33600, s1  }
0x15: {  	s15 =	simm.s32 $0xF000;
	s14 =	sshrl.u32 s18, $0x3;
	[dreg:$0x8] =	wrdreg s20  }
0x16: {  	s13 =	sadd.s32 s0, s13;
	s22 =	sshrl.u32 s22, $0x3;
	s23 =	sshrl.u32 s25, $0x3  }
0x17: {  	s24 =	sshrl.u32 s26, $0x3;
	s26 =	sadd.s32 $0x29600, s1;
	[dreg:$0x9] =	wrdreg s13  }
0x18: {  	s21 =	sadd.s32 s0, s14;
	s13 =	sadd.s32 s0, s22;
	[dreg:$0xe] =	wrdreg s26  }
.Ltmp0:
0x19: {  	s25 =	sadd.s32 s0, s23;
	[dreg:$0xa] =	wrdreg s21;
	(pc) =	sbr.rel .LBB2_1-.Ltmp0, $4  }
0x1a: {  	s0 =	sadd.s32 s0, s24;
	s24 =	sadd.s32 $0x3D600, s1;
	[dreg:$0xb] =	wrdreg s13  }
0x1b: {  	s26 =	sadd.s32 $0x40, s12;
	s1 =	simm.s32 $0x2;
	[dreg:$0xc] =	wrdreg s25  }
0x1c: {  	s14 =	simm.s32 $0x80;
	[dreg:$0xd] =	wrdreg s0;
	s25 =	smax.u32 s16, $0x1  }
0x1d: {  	v0 =	vimm.f32 $0.0e+00;
	s0 =	simm.s32 $0x11800;
	s13 =	simm.s32 $0xA000;
	s16 =	simm.s32 $0x1  }
.LBB2_16:
0x1e: {  	s17 =	stileid.u32  }
0x1f: {  	[bflag:$0x0] =	sbarrier.arrive $0xFFFF;
	s17 =	sshll.u32 s17, $0x6  }
0x20: {  	s18 =	sshrl.u32 s7, $0x3;
	s19 =	rddreg [dreg:$0x9];
	s17 =	sor.u32 $0x1C02, s17  }
0x21: {  	[hbm:s19], [sflag:s17] =	dma.local [spmem:s18], $0x400  }
0x22: {  	_ =	swait.ge [sflag:s1], $0x400  }
0x23: {  	[sflag:s1] =	ssyncset.done $0x0  }
0x24: {  	s20 =	sshrl.u32 s8, $0x3;
	s21 =	rddreg [dreg:$0xa];
	[sflag:s1] =	ssyncadd.s32 $0xFFFFFC00  }
0x25: {  	[hbm:s21], [sflag:s17] =	dma.local [spmem:s20], $0x400  }
0x26: {  	_ =	swait.ge [sflag:s1], $0x400  }
0x27: {  	[sflag:s1] =	ssyncset.done $0x0  }
0x28: {  	s22 =	sshrl.u32 s9, $0x3;
	s23 =	rddreg [dreg:$0xb];
	[sflag:s1] =	ssyncadd.s32 $0xFFFFFC00  }
0x29: {  	[hbm:s23], [sflag:s17] =	dma.local [spmem:s22], $0x400  }
0x2a: {  	_ =	swait.ge [sflag:s1], $0x400  }
0x2b: {  	[sflag:s1] =	ssyncset.done $0x0  }
0x2c: {  	s20 =	sshrl.u32 s10, $0x3;
	s21 =	rddreg [dreg:$0xc];
	[sflag:s1] =	ssyncadd.s32 $0xFFFFFC00  }
0x2d: {  	[hbm:s21], [sflag:s17] =	dma.local [spmem:s20], $0x400  }
0x2e: {  	s4 =	sadd.s32 $0x1, s4;
	_ =	swait.ge [sflag:s1], $0x400  }
0x2f: {  	p1 =	sne.s32 s4, s25;
	s22 =	sshrl.u32 s11, $0x3;
	[sflag:s1] =	ssyncset.done $0x0  }
.Ltmp1:
0x30: {  	s23 =	rddreg [dreg:$0xd];
	[sflag:s1] =	ssyncadd.s32 $0xFFFFFC00;
	(pc) =	sbr.rel @!p1 .LBB2_17-.Ltmp1, $4  }
0x31: {  	[hbm:s23], [sflag:s17] =	dma.local [spmem:s22], $0x400  }
0x32: {  	_ =	swait.ge [sflag:s1], $0x400  }
0x33: {  	[sflag:s1] =	ssyncset.done $0x0  }
0x34: {  	[sflag:s1] =	ssyncadd.s32 $0xFFFFFC00  }
.LBB2_1:
0x35: {  	s18 =	simm.s32 $0x100;
	s17 =	simm.s32 $0x0  }
.LBB2_2:
0x36: {  	p1 =	sne.s32 s18, $0x7F00;
	[tilespmem:s17+$0x11830] =	vst v0;
	s19 =	smov.u32 s18;
	s18 =	sadd.s32 $0x100, s18  }
.Ltmp2:
0x37: {  	[tilespmem:s17+$0x11820] =	vst v0;
	(pc) =	sbr.rel @p1 .LBB2_2-.Ltmp2, $3  }
0x38: {  	[tilespmem:s17+$0x11800] =	vst v0  }
0x39: {  	[tilespmem:s17+$0x11810] =	vst v0;
	_ =	sdelay $0x1  }
0x3a: {  	s17 =	sshra.s32 s19, $0x2  }
0x3b: {  	[tilespmem:s17+$0x11830] =	vst v0  }
0x3c: {  	[tilespmem:s17+$0x11820] =	vst v0  }
0x3d: {  	[tilespmem:s17+$0x11800] =	vst v0  }
0x3e: {  	[tilespmem:s17+$0x11810] =	vst v0  }
0x3f: {  	[spmem:s7] =	stream.linear.scatter [tilespmem:s0], [sflag:$0x2], $0x2000, $0x38;
	[tilespmem:$0x1DA80] =	vst v63  }
0x40: {  	_ =	swait.ge [sflag:s1], $0x2000  }
0x41: {  	[sflag:s1] =	ssyncset.done $0x0  }
0x42: {  	[sflag:s1] =	ssyncadd.s32 $0xFFFFE000  }
0x43: {  	[spmem:s8] =	stream.linear.scatter [tilespmem:s0], [sflag:$0x2], $0x2000, $0x38;
	[tilespmem:$0x1DA80] =	vst v63  }
0x44: {  	_ =	swait.ge [sflag:s1], $0x2000  }
0x45: {  	[sflag:s1] =	ssyncset.done $0x0  }
0x46: {  	[sflag:s1] =	ssyncadd.s32 $0xFFFFE000  }
0x47: {  	[spmem:s9] =	stream.linear.scatter [tilespmem:s0], [sflag:$0x2], $0x2000, $0x38;
	[tilespmem:$0x1DA80] =	vst v63  }
0x48: {  	_ =	swait.ge [sflag:s1], $0x2000  }
0x49: {  	[sflag:s1] =	ssyncset.done $0x0  }
0x4a: {  	[sflag:s1] =	ssyncadd.s32 $0xFFFFE000  }
0x4b: {  	[spmem:s10] =	stream.linear.scatter [tilespmem:s0], [sflag:$0x2], $0x2000, $0x38;
	[tilespmem:$0x1DA80] =	vst v63  }
0x4c: {  	_ =	swait.ge [sflag:s1], $0x2000  }
0x4d: {  	[sflag:s1] =	ssyncset.done $0x0  }
0x4e: {  	[sflag:s1] =	ssyncadd.s32 $0xFFFFE000  }
0x4f: {  	[spmem:s11] =	stream.linear.scatter [tilespmem:s0], [sflag:$0x2], $0x2000, $0x38;
	[tilespmem:$0x1DA80] =	vst v63  }
0x50: {  	_ =	swait.ge [sflag:s1], $0x2000  }
0x51: {  	[sflag:s1] =	ssyncset.done $0x0  }
0x52: {  	[sflag:s1] =	ssyncadd.s32 $0xFFFFE000  }
0x53: {  	[spmem:s12] =	stream.linear.scatter [tilespmem:s0], [sflag:$0x2], $0x40, $0x38;
	[tilespmem:$0x1DA80] =	vst v63  }
0x54: {  	_ =	swait.ge [sflag:s1], $0x40  }
0x55: {  	[sflag:s1] =	ssyncset.done $0x0  }
0x56: {  	[sflag:s1] =	ssyncadd.s32 $0xFFFFFFC0  }
0x57: {  	[spmem:s26] =	stream.linear.scatter [tilespmem:s0], [sflag:$0x2], $0x40, $0x38;
	[tilespmem:$0x1DA80] =	vst v63  }
0x58: {  	_ =	swait.ge [sflag:s1], $0x40  }
0x59: {  	[sflag:s1] =	ssyncset.done $0x0  }
0x5a: {  	s18 =	rddreg [dreg:$0x4];
	[sflag:s1] =	ssyncadd.s32 $0xFFFFFFC0  }
0x5b: {  	[spmem:s18] =	stream.linear.scatter [tilespmem:s0], [sflag:$0x2], $0x40, $0x38;
	[tilespmem:$0x1DA80] =	vst v63  }
0x5c: {  	_ =	swait.ge [sflag:s1], $0x40  }
0x5d: {  	[sflag:s1] =	ssyncset.done $0x0  }
0x5e: {  	[sflag:s1] =	ssyncadd.s32 $0xFFFFFFC0  }
0x5f: {  	[spmem:s28] =	stream.linear.scatter [tilespmem:s0], [sflag:$0x2], $0x40, $0x38;
	[tilespmem:$0x1DA80] =	vst v63  }
0x60: {  	_ =	swait.ge [sflag:s1], $0x40  }
0x61: {  	[sflag:s1] =	ssyncset.done $0x0  }
0x62: {  	s19 =	rddreg [dreg:$0x5];
	[sflag:s1] =	ssyncadd.s32 $0xFFFFFFC0  }
0x63: {  	[spmem:s19] =	stream.linear.scatter [tilespmem:s0], [sflag:$0x2], $0x40, $0x38;
	[tilespmem:$0x1DA80] =	vst v63  }
0x64: {  	_ =	swait.ge [sflag:s1], $0x40  }
0x65: {  	[sflag:s1] =	ssyncset.done $0x0  }
0x66: {  	[sflag:s1] =	ssyncadd.s32 $0xFFFFFFC0  }
0x67: {  	[spmem:s29] =	stream.linear.scatter [tilespmem:s0], [sflag:$0x2], $0x40, $0x38;
	[tilespmem:$0x1DA80] =	vst v63  }
0x68: {  	_ =	swait.ge [sflag:s1], $0x40  }
0x69: {  	[sflag:s1] =	ssyncset.done $0x0  }
0x6a: {  	s20 =	rddreg [dreg:$0x6];
	[sflag:s1] =	ssyncadd.s32 $0xFFFFFFC0  }
0x6b: {  	[spmem:s20] =	stream.linear.scatter [tilespmem:s0], [sflag:$0x2], $0x40, $0x38;
	[tilespmem:$0x1DA80] =	vst v63  }
0x6c: {  	_ =	swait.ge [sflag:s1], $0x40  }
0x6d: {  	[sflag:s1] =	ssyncset.done $0x0  }
0x6e: {  	[sflag:s1] =	ssyncadd.s32 $0xFFFFFFC0  }
0x6f: {  	[spmem:s30] =	stream.linear.scatter [tilespmem:s0], [sflag:$0x2], $0x40, $0x38;
	[tilespmem:$0x1DA80] =	vst v63  }
0x70: {  	_ =	swait.ge [sflag:s1], $0x40  }
0x71: {  	[sflag:s1] =	ssyncset.done $0x0  }
0x72: {  	s21 =	rddreg [dreg:$0x7];
	[sflag:s1] =	ssyncadd.s32 $0xFFFFFFC0  }
0x73: {  	[spmem:s21] =	stream.linear.scatter [tilespmem:s0], [sflag:$0x2], $0x40, $0x38;
	[tilespmem:$0x1DA80] =	vst v63  }
0x74: {  	_ =	swait.ge [sflag:s1], $0x40  }
0x75: {  	[sflag:s1] =	ssyncset.done $0x0  }
0x76: {  	[sflag:s1] =	ssyncadd.s32 $0xFFFFFFC0  }
0x77: {  	[spmem:s31] =	stream.linear.scatter [tilespmem:s0], [sflag:$0x2], $0x40, $0x38;
	[tilespmem:$0x1DA80] =	vst v63  }
0x78: {  	_ =	swait.ge [sflag:s1], $0x40  }
0x79: {  	[sflag:s1] =	ssyncset.done $0x0  }
0x7a: {  	[sflag:s1] =	ssyncadd.s32 $0xFFFFFFC0  }
0x7b: {  	[bflag:$0x0] =	sbarrier.arrive $0xFFFF  }
0x7c: {  	s22 =	simm.s32 $0x0;
	s18 =	rddreg [dreg:$0x8]  }
0x7d: {  	[tilespmem:s22], [sflag:$0x2] =	stream.linear.gather [hbm4b:s18+s22], $0x5000, $0x38;
	[tilespmem:$0x1DA80] =	vst v63  }
0x7e: {  	_ =	swait.ge [sflag:s1], $0x5000  }
0x7f: {  	[sflag:s1] =	ssyncset.done $0x0  }
0x80: {  	s19 =	simm.s32 $0x5000;
	s23 =	rddreg [dreg:$0xe];
	[sflag:s1] =	ssyncadd.s32 $0xFFFFB000  }
0x81: {  	[tilespmem:s19], [sflag:$0x2] =	stream.linear.gather [hbm4b:s23+s22], $0x5000, $0x38;
	[tilespmem:$0x1DA80] =	vst v63  }
0x82: {  	_ =	swait.ge [sflag:s1], $0x5000  }
0x83: {  	[sflag:s1] =	ssyncset.done $0x0  }
0x84: {  	[sflag:s1] =	ssyncadd.s32 $0xFFFFB000  }
0x85: {  	[tilespmem:s13], [sflag:$0x2] =	stream.linear.gather [hbm4b:s24+s22], $0x5000, $0x38;
	[tilespmem:$0x1DA80] =	vst v63  }
0x86: {  	_ =	swait.ge [sflag:s1], $0x5000  }
0x87: {  	[sflag:s1] =	ssyncset.done $0x0  }
0x88: {  	s17 =	simm.s32 $0x0;
	[sflag:s1] =	ssyncadd.s32 $0xFFFFB000  }
0x89: {  	v2 =	vld [tilespmem:s17+$0xA040]  }
0x8a: {  	v1 =	vld [tilespmem:s17+$0xA060]  }
0x8b: {  	v3 =	vld [tilespmem:s17+$0x5060]  }
0x8c: {  	v4 =	vld [tilespmem:s17+$0xA050]  }
0x8d: {  	v5 =	vld [tilespmem:s17+$0xA030]  }
0x8e: {  	v6 =	vld [tilespmem:s17+$0x60]  }
0x8f: {  	v7 =	vld [tilespmem:s17+$0x5050]  }
0x90: {  	v8 =	vld [tilespmem:s17+$0xA020]  }
0x91: {  	v9 =	vld [tilespmem:s17+$0x50]  }
0x92: {  	v10 =	vld [tilespmem:s17+$0x5030]  }
0x93: {  	v11 =	vld [tilespmem:s17+$0xA070]  }
0x94: {  	v12 =	vld [tilespmem:s17+$0x30]  }
0x95: {  	v13 =	vld [tilespmem:s17+$0x20]  }
0x96: {  	v14 =	vld [tilespmem:s17+$0xA010]  }
0x97: {  	v15 =	vld [tilespmem:s17+$0x5020]  }
0x98: {  	v61 =	vld [tilespmem:s17+$0x5010];
	vm0 =	veq.s32 v6, v3  }
0x99: {  	v16 =	vld [tilespmem:s17+$0x70];
	v1 =	vsel vm0, $0x0, v1  }
0x9a: {  	[tilespmem:s17+$0xA060] =	vst v1;
	v1 =	vld [tilespmem:s17+$0x10]  }
0x9b: {  	v3 =	vld [tilespmem:s17+$0x5070]  }
0x9c: {  	v17 =	vld [tilespmem:s17+$0x0]  }
0x9d: {  	v18 =	vld [tilespmem:s17+$0x5040]  }
0x9e: {  	v19 =	vld [tilespmem:s17+$0x40];
	vm0 =	veq.s32 v13, v15  }
0x9f: {  	v62 =	vld [tilespmem:s17+$0x5000];
	v63 =	vsel vm0, $0x0, v8;
	vm1 =	veq.s32 v1, v61  }
0xa0: {  	[tilespmem:s17+$0xA020] =	vst v63;
	vm0 =	veq.s32 v16, v3;
	v1 =	vld [tilespmem:s17+$0xA000];
	v3 =	vsel vm1, $0x0, v14  }
0xa1: {  	vm1 =	veq.s32 v12, v10;
	[tilespmem:s17+$0xA010] =	vst v3;
	v3 =	vsel vm0, $0x0, v11  }
0xa2: {  	vm0 =	veq.s32 v9, v7;
	v5 =	vsel vm1, $0x0, v5;
	[tilespmem:s17+$0xA070] =	vst v3  }
0xa3: {  	vm1 =	veq.s32 v19, v18;
	v3 =	vsel vm0, $0x0, v4;
	[tilespmem:s17+$0xA030] =	vst v5  }
0xa4: {  	s18 =	simm.s32 $0x200;
	s19 =	simm.s32 $0x400;
	vm0 =	veq.s32 v17, v62;
	v2 =	vsel vm1, $0x0, v2;
	[tilespmem:s17+$0xA050] =	vst v3  }
.LBB2_4:
0xa5: {  	p1 =	sne.s32 s19, $0x13E00;
	v1 =	vsel vm0, $0x0, v1;
	[tilespmem:s17+$0xA040] =	vst v2;
	s20 =	smov.u32 s19;
	s19 =	sadd.s32 $0x200, s19  }
0xa6: {  	s21 =	sadd.s32 $0xA000, s17;
	[tilespmem:s17+$0xA000] =	vst v1  }
0xa7: {  	[spmem:s3] =	stream.indirect.scatter.add.f32 [tilespmem:s21], [sflag:$0x2], $0x1, s17, s14, $0xb8;
	[tilespmem:$0x1DA80] =	vst v63  }
0xa8: {  	_ =	swait.ge [sflag:s1], $0x80  }
0xa9: {  	[sflag:s1] =	ssyncset.done $0x0  }
0xaa: {  	s17 =	sshra.s32 s18, $0x2;
	s18 =	smov.u32 s20;
	[sflag:s1] =	ssyncadd.s32 $0xFFFFFF80  }
0xab: {  	v2 =	vld [tilespmem:s17+$0xA040]  }
0xac: {  	v1 =	vld [tilespmem:s17+$0xA060]  }
0xad: {  	v3 =	vld [tilespmem:s17+$0x5060]  }
0xae: {  	v4 =	vld [tilespmem:s17+$0xA050]  }
0xaf: {  	v5 =	vld [tilespmem:s17+$0xA030]  }
0xb0: {  	v6 =	vld [tilespmem:s17+$0x60]  }
0xb1: {  	v7 =	vld [tilespmem:s17+$0x5050]  }
0xb2: {  	v8 =	vld [tilespmem:s17+$0xA020]  }
0xb3: {  	v9 =	vld [tilespmem:s17+$0x50]  }
0xb4: {  	v10 =	vld [tilespmem:s17+$0x5030]  }
0xb5: {  	v11 =	vld [tilespmem:s17+$0xA070]  }
0xb6: {  	v12 =	vld [tilespmem:s17+$0x30]  }
0xb7: {  	v13 =	vld [tilespmem:s17+$0x20]  }
0xb8: {  	v14 =	vld [tilespmem:s17+$0xA010];
	vm0 =	veq.s32 v9, v7  }
0xb9: {  	v7 =	vld [tilespmem:s17+$0x5020];
	v4 =	vsel vm0, $0x0, v4;
	vm0 =	veq.s32 v6, v3  }
0xba: {  	v1 =	vsel vm0, $0x0, v1;
	v3 =	vld [tilespmem:s17+$0x5070]  }
0xbb: {  	v6 =	vld [tilespmem:s17+$0x5010];
	vm0 =	veq.s32 v12, v10;
	[tilespmem:s17+$0xA060] =	vst v1  }
0xbc: {  	v1 =	vld [tilespmem:s17+$0x10];
	v5 =	vsel vm0, $0x0, v5  }
0xbd: {  	v9 =	vld [tilespmem:s17+$0x70]  }
0xbe: {  	v10 =	vld [tilespmem:s17+$0x0];
	vm0 =	veq.s32 v13, v7  }
0xbf: {  	v7 =	vsel vm0, $0x0, v8;
	v8 =	vld [tilespmem:s17+$0x5040]  }
0xc0: {  	v12 =	vld [tilespmem:s17+$0x40]  }
0xc1: {  	v13 =	vld [tilespmem:s17+$0x5000];
	vm0 =	veq.s32 v1, v6  }
.Ltmp3:
0xc2: {  	v1 =	vld [tilespmem:s17+$0xA000];
	v6 =	vsel vm0, $0x0, v14;
	[tilespmem:s17+$0xA020] =	vst v7;
	vm0 =	veq.s32 v9, v3;
	(pc) =	sbr.rel @p1 .LBB2_4-.Ltmp3, $4  }
0xc3: {  	[tilespmem:s17+$0xA010] =	vst v6;
	v3 =	vsel vm0, $0x0, v11  }
0xc4: {  	[tilespmem:s17+$0xA070] =	vst v3  }
0xc5: {  	[tilespmem:s17+$0xA030] =	vst v5;
	vm1 =	veq.s32 v12, v8  }
0xc6: {  	vm0 =	veq.s32 v10, v13;
	v2 =	vsel vm1, $0x0, v2;
	[tilespmem:s17+$0xA050] =	vst v4  }
0xc7: {  	v1 =	vsel vm0, $0x0, v1;
	[tilespmem:s17+$0xA040] =	vst v2  }
0xc8: {  	s19 =	sadd.s32 $0xA000, s17;
	[tilespmem:s17+$0xA000] =	vst v1  }
0xc9: {  	[spmem:s3] =	stream.indirect.scatter.add.f32 [tilespmem:s19], [sflag:$0x2], $0x1, s17, s14, $0xb8;
	[tilespmem:$0x1DA80] =	vst v63  }
0xca: {  	_ =	swait.ge [sflag:s1], $0x80  }
0xcb: {  	[sflag:s1] =	ssyncset.done $0x0  }
0xcc: {  	s23 =	sshra.s32 s18, $0x2;
	[sflag:s1] =	ssyncadd.s32 $0xFFFFFF80  }
0xcd: {  	v1 =	vld [tilespmem:s23+$0xA040]  }
0xce: {  	v2 =	vld [tilespmem:s23+$0xA060]  }
0xcf: {  	v3 =	vld [tilespmem:s23+$0x5060]  }
0xd0: {  	v4 =	vld [tilespmem:s23+$0xA050]  }
0xd1: {  	v5 =	vld [tilespmem:s23+$0xA030]  }
0xd2: {  	v6 =	vld [tilespmem:s23+$0x60]  }
0xd3: {  	v7 =	vld [tilespmem:s23+$0x5050]  }
0xd4: {  	v8 =	vld [tilespmem:s23+$0xA020]  }
0xd5: {  	v9 =	vld [tilespmem:s23+$0x50]  }
0xd6: {  	v10 =	vld [tilespmem:s23+$0x5030]  }
0xd7: {  	v11 =	vld [tilespmem:s23+$0xA070]  }
0xd8: {  	v12 =	vld [tilespmem:s23+$0x30]  }
0xd9: {  	v13 =	vld [tilespmem:s23+$0x20]  }
0xda: {  	v14 =	vld [tilespmem:s23+$0xA010]  }
0xdb: {  	v15 =	vld [tilespmem:s23+$0x5020]  }
0xdc: {  	v16 =	vld [tilespmem:s23+$0x5070]  }
0xdd: {  	v17 =	vld [tilespmem:s23+$0x5010]  }
0xde: {  	v18 =	vld [tilespmem:s23+$0x10]  }
0xdf: {  	v19 =	vld [tilespmem:s23+$0x70]  }
0xe0: {  	v20 =	vld [tilespmem:s23+$0x0]  }
0xe1: {  	v60 =	vld [tilespmem:s23+$0x40];
	vm9 =	veq.s32 v6, v3  }
0xe2: {  	v3 =	vld [tilespmem:s23+$0x5040];
	vm1 =	veq.s32 v13, v15;
	v2 =	vsel vm9, $0x0, v2  }
0xe3: {  	v61 =	vld [tilespmem:s23+$0x5000];
	vm10 =	veq.s32 v18, v17;
	[tilespmem:s23+$0xA060] =	vst v2;
	v2 =	vsel vm1, $0x0, v8  }
0xe4: {  	vm11 =	veq.s32 v19, v16;
	v62 =	vsel vm10, $0x0, v14;
	[tilespmem:s23+$0xA020] =	vst v2;
	v2 =	vld [tilespmem:s23+$0xA000]  }
0xe5: {  	vm12 =	veq.s32 v12, v10;
	v63 =	vsel vm11, $0x0, v11;
	[tilespmem:s23+$0xA010] =	vst v62  }
0xe6: {  	vm13 =	veq.s32 v9, v7;
	v5 =	vsel vm12, $0x0, v5;
	[tilespmem:s23+$0xA070] =	vst v63  }
0xe7: {  	v4 =	vsel vm13, $0x0, v4;
	[tilespmem:s23+$0xA030] =	vst v5;
	vm14 =	veq.s32 v60, v3  }
0xe8: {  	vm15 =	veq.s32 v20, v61;
	[tilespmem:s23+$0xA050] =	vst v4;
	v1 =	vsel vm14, $0x0, v1  }
0xe9: {  	[tilespmem:s23+$0xA040] =	vst v1;
	v2 =	vsel vm15, $0x0, v2  }
0xea: {  	s18 =	sadd.s32 $0xA000, s23;
	[tilespmem:s23+$0xA000] =	vst v2  }
0xeb: {  	[spmem:s3] =	stream.indirect.scatter.add.f32 [tilespmem:s18], [sflag:$0x2], $0x1, s23, s14, $0xb8;
	[tilespmem:$0x1DA80] =	vst v63  }
0xec: {  	_ =	swait.ge [sflag:s1], $0x80  }
0xed: {  	[sflag:s1] =	ssyncset.done $0x0  }
0xee: {  	[sflag:s1] =	ssyncadd.s32 $0xFFFFFF80  }
0xef: {  	[bflag:$0x0] =	sbarrier.arrive $0xFFFF  }
0xf0: {  	[tilespmem:s15], [sflag:$0x2] =	stream.linear.gather [spmem:s3], $0x2800, $0x38;
	[tilespmem:$0x1DA80] =	vst v63  }
0xf1: {  	_ =	swait.ge [sflag:s1], $0x2800  }
0xf2: {  	[sflag:s1] =	ssyncset.done $0x0  }
0xf3: {  	s17 =	simm.s32 $0x0;
	s18 =	simm.s32 $0x40;
	[sflag:s1] =	ssyncadd.s32 $0xFFFFD800  }
.LBB2_6:
0xf4: {  	p1 =	sne.s32 s18, $0x9FC0;
	v1 =	vld [tilespmem:s17+$0xF000];
	_ =	sdelay $0x4  }
0xf5: {  	v2 =	vshra.s32 v1, $0x1;
	v3 =	vmul.f32 $5.000000000e-01, v1  }
0xf6: {  	v2 =	vsub.s32 $0x5F3759DF, v2  }
0xf7: {  	v4 =	vmul.f32 v2, v3;
	_ =	sdelay $0x1  }
0xf8: {  	v4 =	vmul.f32 v2, v4;
	_ =	sdelay $0x1  }
0xf9: {  	v4 =	vsub.f32 $1.500000000e+00, v4;
	_ =	sdelay $0x1  }
0xfa: {  	v2 =	vmul.f32 v2, v4;
	_ =	sdelay $0x1  }
0xfb: {  	v4 =	vmul.f32 v2, v3;
	_ =	sdelay $0x1  }
0xfc: {  	v4 =	vmul.f32 v4, v2;
	_ =	sdelay $0x1  }
0xfd: {  	v4 =	vsub.f32 $1.500000000e+00, v4;
	_ =	sdelay $0x1  }
0xfe: {  	v2 =	vmul.f32 v4, v2;
	_ =	sdelay $0x1  }
0xff: {  	v4 =	vmul.f32 v2, v3;
	_ =	sdelay $0x1  }
0x100: {  	v4 =	vmul.f32 v4, v2;
	_ =	sdelay $0x1  }
0x101: {  	v4 =	vsub.f32 $1.500000000e+00, v4;
	_ =	sdelay $0x1  }
0x102: {  	v2 =	vmul.f32 v4, v2;
	_ =	sdelay $0x1  }
0x103: {  	v3 =	vmul.f32 v2, v3;
	_ =	sdelay $0x1  }
0x104: {  	v3 =	vmul.f32 v3, v2;
	_ =	sdelay $0x1  }
0x105: {  	v3 =	vsub.f32 $1.500000000e+00, v3  }
.Ltmp4:
0x106: {  	(pc) =	sbr.rel @p1 .LBB2_6-.Ltmp4, $4  }
0x107: {  	v2 =	vmul.f32 v3, v2  }
0x108: {  	vm0 =	vgt.f32 v1, $0.0e+00  }
0x109: {  	v1 =	vnsel vm0, $0x0, v2  }
0x10a: {  	[tilespmem:s17+$0xF000] =	vst v1;
	s17 =	sshra.s32 s18, $0x2;
	s18 =	sadd.s32 $0x40, s18  }
0x10b: {  	v1 =	vld [tilespmem:s17+$0xF000];
	_ =	sdelay $0x4  }
0x10c: {  	v2 =	vshra.s32 v1, $0x1;
	v3 =	vmul.f32 $5.000000000e-01, v1  }
0x10d: {  	v2 =	vsub.s32 $0x5F3759DF, v2  }
0x10e: {  	v4 =	vmul.f32 v2, v3;
	_ =	sdelay $0x1  }
0x10f: {  	v4 =	vmul.f32 v2, v4;
	_ =	sdelay $0x1  }
0x110: {  	v4 =	vsub.f32 $1.500000000e+00, v4;
	_ =	sdelay $0x1  }
0x111: {  	v2 =	vmul.f32 v2, v4;
	_ =	sdelay $0x1  }
0x112: {  	v4 =	vmul.f32 v2, v3;
	_ =	sdelay $0x1  }
0x113: {  	v4 =	vmul.f32 v4, v2;
	_ =	sdelay $0x1  }
0x114: {  	v4 =	vsub.f32 $1.500000000e+00, v4;
	_ =	sdelay $0x1  }
0x115: {  	v2 =	vmul.f32 v4, v2;
	_ =	sdelay $0x1  }
0x116: {  	v4 =	vmul.f32 v2, v3;
	_ =	sdelay $0x1  }
0x117: {  	v4 =	vmul.f32 v4, v2;
	_ =	sdelay $0x1  }
0x118: {  	v4 =	vsub.f32 $1.500000000e+00, v4;
	_ =	sdelay $0x1  }
0x119: {  	v2 =	vmul.f32 v4, v2;
	_ =	sdelay $0x1  }
0x11a: {  	v3 =	vmul.f32 v2, v3;
	_ =	sdelay $0x1  }
0x11b: {  	v3 =	vmul.f32 v3, v2;
	_ =	sdelay $0x1  }
0x11c: {  	v3 =	vsub.f32 $1.500000000e+00, v3;
	_ =	sdelay $0x1  }
0x11d: {  	v2 =	vmul.f32 v3, v2  }
0x11e: {  	vm0 =	vgt.f32 v1, $0.0e+00  }
0x11f: {  	v1 =	vnsel vm0, $0x0, v2  }
0x120: {  	[tilespmem:s17+$0xF000] =	vst v1;
	s17 =	simm.s32 $0x0  }
0x121: {  	v1 =	vld [tilespmem:s17+$0x0];
	_ =	sdelay $0x1  }
0x122: {  	v2 =	vld [tilespmem:s17+$0x5000];
	_ =	sdelay $0x4  }
0x123: {  	v3 =	vld [tilespmem:s17+$0xA000]  }
0x124: {  	v1 =	vld.idx.msk [tilespmem:v1+s15+$0x0], $0xffff;
	_ =	sdelay $0x1  }
0x125: {  	v2 =	vld.idx.msk [tilespmem:v2+s15+$0x0], $0xffff;
	_ =	sdelay $0x1  }
0x126: {  	v4 =	vld [tilespmem:s17+$0x10]  }
0x127: {  	v1 =	vmul.f32 v3, v1  }
0x128: {  	v3 =	vld [tilespmem:s17+$0x5010]  }
0x129: {  	v1 =	vmul.f32 v1, v2;
	_ =	sdelay $0x1  }
0x12a: {  	v1 =	vsub.f32 $0.0e+00, v1;
	_ =	sdelay $0x1  }
0x12b: {  	v2 =	vld [tilespmem:s17+$0xA010];
	[tilespmem:s17+$0xA000] =	vst v1  }
0x12c: {  	v1 =	vld.idx.msk [tilespmem:v4+s15+$0x0], $0xffff;
	_ =	sdelay $0x1  }
0x12d: {  	v3 =	vld.idx.msk [tilespmem:v3+s15+$0x0], $0xffff;
	_ =	sdelay $0x1  }
0x12e: {  	v4 =	vld [tilespmem:s17+$0x20]  }
0x12f: {  	v1 =	vmul.f32 v2, v1  }
0x130: {  	v2 =	vld [tilespmem:s17+$0x5020]  }
0x131: {  	v1 =	vmul.f32 v1, v3;
	_ =	sdelay $0x1  }
0x132: {  	v1 =	vsub.f32 $0.0e+00, v1;
	_ =	sdelay $0x1  }
0x133: {  	v3 =	vld [tilespmem:s17+$0xA020];
	[tilespmem:s17+$0xA010] =	vst v1  }
0x134: {  	v1 =	vld.idx.msk [tilespmem:v4+s15+$0x0], $0xffff;
	_ =	sdelay $0x1  }
0x135: {  	v2 =	vld.idx.msk [tilespmem:v2+s15+$0x0], $0xffff;
	_ =	sdelay $0x1  }
0x136: {  	v4 =	vld [tilespmem:s17+$0x30]  }
0x137: {  	v1 =	vmul.f32 v3, v1  }
0x138: {  	v3 =	vld [tilespmem:s17+$0x5030]  }
0x139: {  	v1 =	vmul.f32 v1, v2;
	_ =	sdelay $0x1  }
0x13a: {  	v1 =	vsub.f32 $0.0e+00, v1;
	_ =	sdelay $0x1  }
0x13b: {  	v2 =	vld [tilespmem:s17+$0xA030];
	[tilespmem:s17+$0xA020] =	vst v1  }
0x13c: {  	v1 =	vld.idx.msk [tilespmem:v4+s15+$0x0], $0xffff;
	_ =	sdelay $0x1  }
0x13d: {  	v3 =	vld.idx.msk [tilespmem:v3+s15+$0x0], $0xffff;
	_ =	sdelay $0x1  }
0x13e: {  	v4 =	vld [tilespmem:s17+$0x40]  }
0x13f: {  	v1 =	vmul.f32 v2, v1  }
0x140: {  	v2 =	vld [tilespmem:s17+$0x5040]  }
0x141: {  	v1 =	vmul.f32 v1, v3;
	_ =	sdelay $0x1  }
0x142: {  	v1 =	vsub.f32 $0.0e+00, v1;
	_ =	sdelay $0x1  }
0x143: {  	v3 =	vld [tilespmem:s17+$0xA040];
	[tilespmem:s17+$0xA030] =	vst v1  }
0x144: {  	v1 =	vld.idx.msk [tilespmem:v4+s15+$0x0], $0xffff;
	_ =	sdelay $0x1  }
0x145: {  	v2 =	vld.idx.msk [tilespmem:v2+s15+$0x0], $0xffff;
	_ =	sdelay $0x1  }
0x146: {  	v4 =	vld [tilespmem:s17+$0x50]  }
0x147: {  	v1 =	vmul.f32 v3, v1  }
0x148: {  	v3 =	vld [tilespmem:s17+$0x5050]  }
0x149: {  	v1 =	vmul.f32 v1, v2;
	_ =	sdelay $0x1  }
0x14a: {  	v1 =	vsub.f32 $0.0e+00, v1;
	_ =	sdelay $0x1  }
0x14b: {  	[tilespmem:s17+$0xA040] =	vst v1;
	v1 =	vld [tilespmem:s17+$0xA050]  }
0x14c: {  	v2 =	vld.idx.msk [tilespmem:v4+s15+$0x0], $0xffff;
	_ =	sdelay $0x1  }
0x14d: {  	v3 =	vld.idx.msk [tilespmem:v3+s15+$0x0], $0xffff;
	_ =	sdelay $0x1  }
0x14e: {  	v4 =	vld [tilespmem:s17+$0x60]  }
0x14f: {  	v1 =	vmul.f32 v1, v2  }
0x150: {  	v2 =	vld [tilespmem:s17+$0x5060]  }
0x151: {  	v1 =	vmul.f32 v1, v3;
	_ =	sdelay $0x1  }
0x152: {  	v1 =	vsub.f32 $0.0e+00, v1;
	_ =	sdelay $0x1  }
0x153: {  	[tilespmem:s17+$0xA050] =	vst v1;
	v1 =	vld [tilespmem:s17+$0xA060]  }
0x154: {  	v3 =	vld.idx.msk [tilespmem:v4+s15+$0x0], $0xffff;
	_ =	sdelay $0x1  }
0x155: {  	v2 =	vld.idx.msk [tilespmem:v2+s15+$0x0], $0xffff;
	_ =	sdelay $0x1  }
0x156: {  	v4 =	vld [tilespmem:s17+$0x70]  }
0x157: {  	v1 =	vmul.f32 v1, v3  }
0x158: {  	v3 =	vld [tilespmem:s17+$0x5070]  }
0x159: {  	v1 =	vmul.f32 v1, v2;
	_ =	sdelay $0x1  }
0x15a: {  	v1 =	vsub.f32 $0.0e+00, v1;
	_ =	sdelay $0x1  }
0x15b: {  	[tilespmem:s17+$0xA060] =	vst v1;
	v1 =	vld [tilespmem:s17+$0xA070]  }
0x15c: {  	v2 =	vld.idx.msk [tilespmem:v4+s15+$0x0], $0xffff;
	_ =	sdelay $0x1  }
0x15d: {  	v3 =	vld.idx.msk [tilespmem:v3+s15+$0x0], $0xffff;
	_ =	sdelay $0x1  }
0x15e: {  	s20 =	simm.s32 $0x80  }
0x15f: {  	v1 =	vmul.f32 v1, v2;
	v2 =	vld [tilespmem:s20+$0x0];
	_ =	sdelay $0x1  }
0x160: {  	v3 =	vmul.f32 v1, v3;
	v1 =	vld [tilespmem:s20+$0x5000];
	_ =	sdelay $0x2  }
0x161: {  	s18 =	simm.s32 $0x400;
	v3 =	vsub.f32 $0.0e+00, v3  }
.LBB2_8:
0x162: {  	_ = 	snop  }
0x163: {  	p1 =	sne.s32 s18, $0x13E00;
	s19 =	smov.u32 s18;
	s18 =	sadd.s32 $0x200, s18;
	[tilespmem:s17+$0xA070] =	vst v3  }
0x164: {  	s17 =	smov.u32 s20;
	v2 =	vld.idx.msk [tilespmem:v2+s15+$0x0], $0xffff  }
0x165: {  	v3 =	vld [tilespmem:s17+$0xA000]  }
0x166: {  	v1 =	vld.idx.msk [tilespmem:v1+s15+$0x0], $0xffff;
	_ =	sdelay $0x2  }
0x167: {  	v4 =	vld [tilespmem:s17+$0x10]  }
0x168: {  	v2 =	vmul.f32 v3, v2  }
0x169: {  	v3 =	vld [tilespmem:s17+$0x5010]  }
0x16a: {  	v1 =	vmul.f32 v2, v1;
	_ =	sdelay $0x1  }
0x16b: {  	v1 =	vsub.f32 $0.0e+00, v1;
	_ =	sdelay $0x1  }
0x16c: {  	[tilespmem:s17+$0xA000] =	vst v1  }
0x16d: {  	v1 =	vld.idx.msk [tilespmem:v4+s15+$0x0], $0xffff  }
0x16e: {  	v2 =	vld [tilespmem:s17+$0xA010]  }
0x16f: {  	v3 =	vld.idx.msk [tilespmem:v3+s15+$0x0], $0xffff;
	_ =	sdelay $0x2  }
0x170: {  	v4 =	vld [tilespmem:s17+$0x20]  }
0x171: {  	v1 =	vmul.f32 v2, v1  }
0x172: {  	v2 =	vld [tilespmem:s17+$0x5020]  }
0x173: {  	v1 =	vmul.f32 v1, v3;
	_ =	sdelay $0x1  }
0x174: {  	v1 =	vsub.f32 $0.0e+00, v1;
	_ =	sdelay $0x1  }
0x175: {  	[tilespmem:s17+$0xA010] =	vst v1  }
0x176: {  	v1 =	vld.idx.msk [tilespmem:v4+s15+$0x0], $0xffff  }
0x177: {  	v3 =	vld [tilespmem:s17+$0xA020]  }
0x178: {  	v2 =	vld.idx.msk [tilespmem:v2+s15+$0x0], $0xffff;
	_ =	sdelay $0x2  }
0x179: {  	v4 =	vld [tilespmem:s17+$0x30]  }
0x17a: {  	v1 =	vmul.f32 v3, v1  }
0x17b: {  	v3 =	vld [tilespmem:s17+$0x5030]  }
0x17c: {  	v1 =	vmul.f32 v1, v2;
	_ =	sdelay $0x1  }
0x17d: {  	v1 =	vsub.f32 $0.0e+00, v1;
	_ =	sdelay $0x1  }
0x17e: {  	[tilespmem:s17+$0xA020] =	vst v1  }
0x17f: {  	v1 =	vld.idx.msk [tilespmem:v4+s15+$0x0], $0xffff  }
0x180: {  	v2 =	vld [tilespmem:s17+$0xA030]  }
0x181: {  	v3 =	vld.idx.msk [tilespmem:v3+s15+$0x0], $0xffff;
	_ =	sdelay $0x2  }
0x182: {  	v4 =	vld [tilespmem:s17+$0x40]  }
0x183: {  	v1 =	vmul.f32 v2, v1  }
0x184: {  	v2 =	vld [tilespmem:s17+$0x5040]  }
0x185: {  	v1 =	vmul.f32 v1, v3;
	_ =	sdelay $0x1  }
0x186: {  	v1 =	vsub.f32 $0.0e+00, v1;
	_ =	sdelay $0x1  }
0x187: {  	[tilespmem:s17+$0xA030] =	vst v1  }
0x188: {  	v1 =	vld.idx.msk [tilespmem:v4+s15+$0x0], $0xffff  }
0x189: {  	v3 =	vld [tilespmem:s17+$0xA040]  }
0x18a: {  	v2 =	vld.idx.msk [tilespmem:v2+s15+$0x0], $0xffff;
	_ =	sdelay $0x2  }
0x18b: {  	v4 =	vld [tilespmem:s17+$0x50]  }
0x18c: {  	v1 =	vmul.f32 v3, v1;
	v3 =	vld [tilespmem:s17+$0x5050];
	_ =	sdelay $0x1  }
0x18d: {  	v1 =	vmul.f32 v1, v2;
	_ =	sdelay $0x1  }
0x18e: {  	v1 =	vsub.f32 $0.0e+00, v1;
	_ =	sdelay $0x1  }
0x18f: {  	[tilespmem:s17+$0xA040] =	vst v1;
	v1 =	vld [tilespmem:s17+$0xA050]  }
0x190: {  	v2 =	vld.idx.msk [tilespmem:v4+s15+$0x0], $0xffff  }
0x191: {  	v3 =	vld.idx.msk [tilespmem:v3+s15+$0x0], $0xffff;
	_ =	sdelay $0x3  }
0x192: {  	v4 =	vld [tilespmem:s17+$0x60]  }
0x193: {  	v1 =	vmul.f32 v1, v2;
	v2 =	vld [tilespmem:s17+$0x5060];
	_ =	sdelay $0x1  }
0x194: {  	v1 =	vmul.f32 v1, v3;
	_ =	sdelay $0x1  }
0x195: {  	v1 =	vsub.f32 $0.0e+00, v1;
	_ =	sdelay $0x1  }
0x196: {  	[tilespmem:s17+$0xA050] =	vst v1;
	v1 =	vld [tilespmem:s17+$0xA060]  }
0x197: {  	v3 =	vld.idx.msk [tilespmem:v4+s15+$0x0], $0xffff  }
0x198: {  	v2 =	vld.idx.msk [tilespmem:v2+s15+$0x0], $0xffff;
	_ =	sdelay $0x3  }
0x199: {  	v4 =	vld [tilespmem:s17+$0x70]  }
0x19a: {  	v1 =	vmul.f32 v1, v3;
	v3 =	vld [tilespmem:s17+$0x5070];
	_ =	sdelay $0x1  }
0x19b: {  	v1 =	vmul.f32 v1, v2;
	_ =	sdelay $0x1  }
0x19c: {  	v1 =	vsub.f32 $0.0e+00, v1;
	_ =	sdelay $0x1  }
0x19d: {  	[tilespmem:s17+$0xA060] =	vst v1;
	v5 =	vld [tilespmem:s17+$0xA070]  }
0x19e: {  	v4 =	vld.idx.msk [tilespmem:v4+s15+$0x0], $0xffff  }
0x19f: {  	v3 =	vld.idx.msk [tilespmem:v3+s15+$0x0], $0xffff;
	_ =	sdelay $0x2  }
0x1a0: {  	s20 =	sshra.s32 s19, $0x2  }
0x1a1: {  	v2 =	vld [tilespmem:s20+$0x0]  }
.Ltmp5:
0x1a2: {  	v4 =	vmul.f32 v5, v4;
	v1 =	vld [tilespmem:s20+$0x5000];
	(pc) =	sbr.rel @p1 .LBB2_8-.Ltmp5, $3  }
0x1a3: {  	_ = 	snop  }
0x1a4: {  	v3 =	vmul.f32 v4, v3;
	_ =	sdelay $0x1  }
0x1a5: {  	v3 =	vsub.f32 $0.0e+00, v3  }
0x1a6: {  	_ =	sdelay $0x2  }
0x1a7: {  	[tilespmem:s17+$0xA070] =	vst v3  }
0x1a8: {  	v2 =	vld.idx.msk [tilespmem:v2+s15+$0x0], $0xffff  }
0x1a9: {  	v3 =	vld [tilespmem:s20+$0xA000];
	_ =	sdelay $0x1  }
0x1aa: {  	v1 =	vld.idx.msk [tilespmem:v1+s15+$0x0], $0xffff;
	_ =	sdelay $0x1  }
0x1ab: {  	v4 =	vld [tilespmem:s20+$0x10]  }
0x1ac: {  	v2 =	vmul.f32 v3, v2  }
0x1ad: {  	v3 =	vld [tilespmem:s20+$0x5010]  }
0x1ae: {  	v1 =	vmul.f32 v2, v1;
	_ =	sdelay $0x1  }
0x1af: {  	v1 =	vsub.f32 $0.0e+00, v1;
	_ =	sdelay $0x1  }
0x1b0: {  	v2 =	vld [tilespmem:s20+$0xA010];
	[tilespmem:s20+$0xA000] =	vst v1  }
0x1b1: {  	v1 =	vld.idx.msk [tilespmem:v4+s15+$0x0], $0xffff;
	_ =	sdelay $0x1  }
0x1b2: {  	v3 =	vld.idx.msk [tilespmem:v3+s15+$0x0], $0xffff;
	_ =	sdelay $0x1  }
0x1b3: {  	v58 =	vld [tilespmem:s20+$0x20]  }
0x1b4: {  	v1 =	vmul.f32 v2, v1  }
0x1b5: {  	v2 =	vld [tilespmem:s20+$0x5020]  }
0x1b6: {  	v1 =	vmul.f32 v1, v3;
	_ =	sdelay $0x1  }
0x1b7: {  	v1 =	vsub.f32 $0.0e+00, v1;
	_ =	sdelay $0x1  }
0x1b8: {  	v3 =	vld [tilespmem:s20+$0xA020];
	[tilespmem:s20+$0xA010] =	vst v1  }
0x1b9: {  	v1 =	vld.idx.msk [tilespmem:v58+s15+$0x0], $0xffff;
	_ =	sdelay $0x1  }
0x1ba: {  	v2 =	vld.idx.msk [tilespmem:v2+s15+$0x0], $0xffff;
	_ =	sdelay $0x1  }
0x1bb: {  	v59 =	vld [tilespmem:s20+$0x30]  }
0x1bc: {  	v1 =	vmul.f32 v3, v1  }
0x1bd: {  	v3 =	vld [tilespmem:s20+$0x5030]  }
0x1be: {  	v1 =	vmul.f32 v1, v2;
	_ =	sdelay $0x1  }
0x1bf: {  	v1 =	vsub.f32 $0.0e+00, v1;
	_ =	sdelay $0x1  }
0x1c0: {  	v2 =	vld [tilespmem:s20+$0xA030];
	[tilespmem:s20+$0xA020] =	vst v1  }
0x1c1: {  	v1 =	vld.idx.msk [tilespmem:v59+s15+$0x0], $0xffff;
	_ =	sdelay $0x1  }
0x1c2: {  	v3 =	vld.idx.msk [tilespmem:v3+s15+$0x0], $0xffff;
	_ =	sdelay $0x1  }
0x1c3: {  	v60 =	vld [tilespmem:s20+$0x40]  }
0x1c4: {  	v1 =	vmul.f32 v2, v1  }
0x1c5: {  	v2 =	vld [tilespmem:s20+$0x5040]  }
0x1c6: {  	v1 =	vmul.f32 v1, v3;
	_ =	sdelay $0x1  }
0x1c7: {  	v1 =	vsub.f32 $0.0e+00, v1;
	_ =	sdelay $0x1  }
0x1c8: {  	v3 =	vld [tilespmem:s20+$0xA040];
	[tilespmem:s20+$0xA030] =	vst v1  }
0x1c9: {  	v1 =	vld.idx.msk [tilespmem:v60+s15+$0x0], $0xffff;
	_ =	sdelay $0x1  }
0x1ca: {  	v2 =	vld.idx.msk [tilespmem:v2+s15+$0x0], $0xffff;
	_ =	sdelay $0x1  }
0x1cb: {  	v61 =	vld [tilespmem:s20+$0x50]  }
0x1cc: {  	v1 =	vmul.f32 v3, v1  }
0x1cd: {  	v3 =	vld [tilespmem:s20+$0x5050]  }
0x1ce: {  	v1 =	vmul.f32 v1, v2;
	_ =	sdelay $0x1  }
0x1cf: {  	v1 =	vsub.f32 $0.0e+00, v1;
	_ =	sdelay $0x1  }
0x1d0: {  	[tilespmem:s20+$0xA040] =	vst v1;
	v1 =	vld [tilespmem:s20+$0xA050]  }
0x1d1: {  	v2 =	vld.idx.msk [tilespmem:v61+s15+$0x0], $0xffff;
	_ =	sdelay $0x1  }
0x1d2: {  	v3 =	vld.idx.msk [tilespmem:v3+s15+$0x0], $0xffff;
	_ =	sdelay $0x1  }
0x1d3: {  	v62 =	vld [tilespmem:s20+$0x60]  }
0x1d4: {  	v1 =	vmul.f32 v1, v2  }
0x1d5: {  	v2 =	vld [tilespmem:s20+$0x5060]  }
0x1d6: {  	v1 =	vmul.f32 v1, v3;
	_ =	sdelay $0x1  }
0x1d7: {  	v1 =	vsub.f32 $0.0e+00, v1;
	_ =	sdelay $0x1  }
0x1d8: {  	[tilespmem:s20+$0xA050] =	vst v1;
	v1 =	vld [tilespmem:s20+$0xA060]  }
0x1d9: {  	v3 =	vld.idx.msk [tilespmem:v62+s15+$0x0], $0xffff;
	_ =	sdelay $0x1  }
0x1da: {  	v2 =	vld.idx.msk [tilespmem:v2+s15+$0x0], $0xffff;
	_ =	sdelay $0x1  }
0x1db: {  	v63 =	vld [tilespmem:s20+$0x70]  }
0x1dc: {  	v1 =	vmul.f32 v1, v3  }
0x1dd: {  	v3 =	vld [tilespmem:s20+$0x5070]  }
0x1de: {  	v1 =	vmul.f32 v1, v2;
	_ =	sdelay $0x1  }
0x1df: {  	v1 =	vsub.f32 $0.0e+00, v1;
	_ =	sdelay $0x1  }
0x1e0: {  	[tilespmem:s20+$0xA060] =	vst v1;
	v1 =	vld [tilespmem:s20+$0xA070]  }
0x1e1: {  	v2 =	vld.idx.msk [tilespmem:v63+s15+$0x0], $0xffff;
	_ =	sdelay $0x1  }
0x1e2: {  	v3 =	vld.idx.msk [tilespmem:v3+s15+$0x0], $0xffff;
	_ =	sdelay $0x2  }
0x1e3: {  	v1 =	vmul.f32 v1, v2;
	_ =	sdelay $0x1  }
.Ltmp6:
0x1e4: {  	v1 =	vmul.f32 v1, v3;
	(pc) =	sbr.rel @!p0 .LBB2_10-.Ltmp6, $3  }
0x1e5: {  	_ = 	snop  }
0x1e6: {  	v1 =	vsub.f32 $0.0e+00, v1;
	_ =	sdelay $0x1  }
0x1e7: {  	s18 =	simm.s32 $0x0;
	s19 =	simm.s32 $0x0;
	s17 =	simm.s32 $0x0;
	[tilespmem:s20+$0xA070] =	vst v1  }
.LBB2_13:
0x1e8: {  	s18 =	sshll.u32 s19, $0x7;
	v2 =	vmov s17  }
0x1e9: {  	v1 =	vmov s18;
	v2 =	vand.u32 $0x7F, v2  }
0x1ea: {  	v2 =	vor.u32 v1, v2  }
0x1eb: {  	v2 =	vbroadcast v2, $0x0  }
0x1ec: {  	[tilespmem:s0], [sflag:$0x1] =	stream.indirect.gather [hbm4b:s6+s14], $0x40, s18, s14, $0xb8;
	[tilespmem:$0x1DA80] =	vst v63  }
0x1ed: {  	_ =	swait.ge [sflag:s16], $0x2000  }
0x1ee: {  	[sflag:s16] =	ssyncset.done $0x0  }
0x1ef: {  	s20 =	simm.s32 $0x11820;
	[sflag:s16] =	ssyncadd.s32 $0xFFFFE000  }
0x1f0: {  	v5 =	vld [tilespmem:s20+$0x10]  }
0x1f1: {  	v3 =	vld.idx.msk [tilespmem:v2+s13+$0x0], $0xffff;
	_ =	sdelay $0x1  }
0x1f2: {  	v4 =	vld [tilespmem:s20+$0xFFFFFFF0]  }
0x1f3: {  	s21 =	simm.s32 $0x1;
	v7 =	vld [tilespmem:s20+$0x0]  }
0x1f4: {  	v2 =	vmov s21  }
0x1f5: {  	v2 =	vand.u32 $0x7F, v2;
	v6 =	vmul.f32 v5, v3;
	v5 =	vld [tilespmem:s20+$0xFFFFFFE0]  }
0x1f6: {  	v2 =	vor.u32 v1, v2  }
0x1f7: {  	v2 =	vbroadcast v2, $0x0  }
0x1f8: {  	s22 =	simm.s32 $0x2;
	s21 =	simm.s32 $0x11820;
	v4 =	vmul.f32 v4, v3;
	v7 =	vmul.f32 v7, v3  }
.LBB2_14:
0x1f9: {  	p1 =	sne.s32 s22, $0x7F  }
0x1fa: {  	v3 =	vmul.f32 v5, v3;
	[tilespmem:s20+$0x10] =	vst v6;
	s21 =	sadd.s32 $0x40, s21;
	s23 =	smov.u32 s22;
	s22 =	sadd.s32 $0x1, s22  }
0x1fb: {  	[tilespmem:s20+$0x0] =	vst v7  }
0x1fc: {  	[tilespmem:s20+$0xFFFFFFE0] =	vst v3  }
0x1fd: {  	v7 =	vld [tilespmem:s21+$0xFFFFFFF0];
	[tilespmem:s20+$0xFFFFFFF0] =	vst v4;
	s20 =	smov.u32 s21  }
0x1fe: {  	v3 =	vld.idx.msk [tilespmem:v2+s13+$0x0], $0xffff  }
0x1ff: {  	v4 =	vld [tilespmem:s21+$0x10]  }
0x200: {  	v8 =	vld [tilespmem:s21+$0x0]  }
.Ltmp7:
0x201: {  	v2 =	vmov s23;
	v5 =	vld [tilespmem:s21+$0xFFFFFFE0];
	(pc) =	sbr.rel @p1 .LBB2_14-.Ltmp7, $4  }
0x202: {  	v2 =	vand.u32 $0x7F, v2  }
0x203: {  	v2 =	vor.u32 v1, v2  }
0x204: {  	v2 =	vbroadcast v2, $0x0;
	v6 =	vmul.f32 v4, v3  }
0x205: {  	v4 =	vmul.f32 v7, v3;
	v7 =	vmul.f32 v8, v3  }
0x206: {  	v1 =	vmul.f32 v5, v3;
	[tilespmem:s20+$0x10] =	vst v6  }
0x207: {  	[tilespmem:s20+$0x0] =	vst v7  }
0x208: {  	s21 =	sadd.s32 $0x40, s21;
	[tilespmem:s20+$0xFFFFFFE0] =	vst v1  }
0x209: {  	v1 =	vld [tilespmem:s21+$0xFFFFFFF0];
	[tilespmem:s20+$0xFFFFFFF0] =	vst v4  }
0x20a: {  	v2 =	vld.idx.msk [tilespmem:v2+s13+$0x0], $0xffff  }
0x20b: {  	v3 =	vld [tilespmem:s21+$0x10]  }
0x20c: {  	v4 =	vld [tilespmem:s21+$0x0]  }
0x20d: {  	v63 =	vld [tilespmem:s21+$0xFFFFFFE0];
	_ =	sdelay $0x2  }
0x20e: {  	v3 =	vmul.f32 v3, v2  }
0x20f: {  	v4 =	vmul.f32 v4, v2  }
0x210: {  	v5 =	vmul.f32 v63, v2;
	[tilespmem:s21+$0x10] =	vst v3  }
0x211: {  	v1 =	vmul.f32 v1, v2;
	[tilespmem:s21+$0x0] =	vst v4  }
0x212: {  	s19 =	sadd.s32 $0x1, s19;
	[tilespmem:s21+$0xFFFFFFE0] =	vst v5  }
0x213: {  	s18 =	sadd.s32 $0x5000, s18;
	p1 =	sne.s32 s19, $0xA0;
	[tilespmem:s21+$0xFFFFFFF0] =	vst v1  }
0x214: {  	[spmem:s2] =	stream.indirect.scatter.add.f32 [tilespmem:s0], [sflag:$0x2], $0x40, s18, s14, $0xb8;
	[tilespmem:$0x1DA80] =	vst v63  }
.Ltmp8:
0x215: {  	_ = 	snop;
	(pc) =	sbr.rel @p1 .LBB2_13-.Ltmp8, $4  }
.Ltmp9:
0x216: {  	_ = 	snop;
	(pc) =	sbr.rel @!p1 .LBB2_16-.Ltmp9, $4  }
0x217: {  	_ =	swait.ge [sflag:s1], $0x2000  }
0x218: {  	[sflag:s1] =	ssyncset.done $0x0  }
0x219: {  	[sflag:s1] =	ssyncadd.s32 $0xFFFFE000  }
0x21a: {  	_ = 	snop  }
.LBB2_10:
0x21b: {  	s19 =	sshll.u32 s18, $0x7;
	v2 =	vmov s17  }
0x21c: {  	v1 =	vmov s19;
	v2 =	vand.u32 $0x7F, v2  }
0x21d: {  	v2 =	vor.u32 v1, v2  }
0x21e: {  	v2 =	vbroadcast v2, $0x0  }
0x21f: {  	[tilespmem:s0], [sflag:$0x1] =	stream.indirect.gather [hbm4b:s5+s14], $0x40, s19, s14, $0xb8;
	[tilespmem:$0x1DA80] =	vst v63  }
0x220: {  	_ =	swait.ge [sflag:s16], $0x2000  }
0x221: {  	[sflag:s16] =	ssyncset.done $0x0  }
0x222: {  	s20 =	simm.s32 $0x11820;
	[sflag:s16] =	ssyncadd.s32 $0xFFFFE000  }
0x223: {  	v5 =	vld [tilespmem:s20+$0x10]  }
0x224: {  	v3 =	vld.idx.msk [tilespmem:v2+s13+$0x0], $0xffff;
	_ =	sdelay $0x1  }
0x225: {  	v4 =	vld [tilespmem:s20+$0xFFFFFFF0]  }
0x226: {  	s21 =	simm.s32 $0x1;
	v7 =	vld [tilespmem:s20+$0x0]  }
0x227: {  	v2 =	vmov s21  }
0x228: {  	v2 =	vand.u32 $0x7F, v2;
	v6 =	vmul.f32 v5, v3;
	v5 =	vld [tilespmem:s20+$0xFFFFFFE0]  }
0x229: {  	v2 =	vor.u32 v1, v2  }
0x22a: {  	v2 =	vbroadcast v2, $0x0  }
0x22b: {  	s22 =	simm.s32 $0x2;
	s21 =	simm.s32 $0x11820;
	v4 =	vmul.f32 v4, v3;
	v7 =	vmul.f32 v7, v3  }
.LBB2_11:
0x22c: {  	p1 =	sne.s32 s22, $0x7F  }
0x22d: {  	v3 =	vmul.f32 v5, v3;
	[tilespmem:s20+$0x10] =	vst v6;
	s21 =	sadd.s32 $0x40, s21;
	s23 =	smov.u32 s22;
	s22 =	sadd.s32 $0x1, s22  }
0x22e: {  	[tilespmem:s20+$0x0] =	vst v7  }
0x22f: {  	[tilespmem:s20+$0xFFFFFFE0] =	vst v3  }
0x230: {  	v7 =	vld [tilespmem:s21+$0xFFFFFFF0];
	[tilespmem:s20+$0xFFFFFFF0] =	vst v4;
	s20 =	smov.u32 s21  }
0x231: {  	v3 =	vld.idx.msk [tilespmem:v2+s13+$0x0], $0xffff  }
0x232: {  	v4 =	vld [tilespmem:s21+$0x10]  }
0x233: {  	v8 =	vld [tilespmem:s21+$0x0]  }
.Ltmp10:
0x234: {  	v2 =	vmov s23;
	v5 =	vld [tilespmem:s21+$0xFFFFFFE0];
	(pc) =	sbr.rel @p1 .LBB2_11-.Ltmp10, $4  }
0x235: {  	v2 =	vand.u32 $0x7F, v2  }
0x236: {  	v2 =	vor.u32 v1, v2  }
0x237: {  	v2 =	vbroadcast v2, $0x0;
	v6 =	vmul.f32 v4, v3  }
0x238: {  	v4 =	vmul.f32 v7, v3;
	v7 =	vmul.f32 v8, v3  }
0x239: {  	v1 =	vmul.f32 v5, v3;
	[tilespmem:s20+$0x10] =	vst v6  }
0x23a: {  	[tilespmem:s20+$0x0] =	vst v7  }
0x23b: {  	s21 =	sadd.s32 $0x40, s21;
	[tilespmem:s20+$0xFFFFFFE0] =	vst v1  }
0x23c: {  	v1 =	vld [tilespmem:s21+$0xFFFFFFF0];
	[tilespmem:s20+$0xFFFFFFF0] =	vst v4  }
0x23d: {  	v2 =	vld.idx.msk [tilespmem:v2+s13+$0x0], $0xffff  }
0x23e: {  	v3 =	vld [tilespmem:s21+$0x10]  }
0x23f: {  	v4 =	vld [tilespmem:s21+$0x0]  }
0x240: {  	v63 =	vld [tilespmem:s21+$0xFFFFFFE0];
	_ =	sdelay $0x2  }
0x241: {  	v3 =	vmul.f32 v3, v2  }
0x242: {  	v4 =	vmul.f32 v4, v2  }
0x243: {  	v5 =	vmul.f32 v63, v2;
	[tilespmem:s21+$0x10] =	vst v3  }
0x244: {  	v1 =	vmul.f32 v1, v2;
	[tilespmem:s21+$0x0] =	vst v4  }
0x245: {  	s18 =	sadd.s32 $0x1, s18;
	[tilespmem:s21+$0xFFFFFFE0] =	vst v5  }
0x246: {  	s19 =	sadd.s32 $0x5000, s19;
	p1 =	seq.s32 s18, $0xA0;
	[tilespmem:s21+$0xFFFFFFF0] =	vst v1  }
0x247: {  	[spmem:s2] =	stream.indirect.scatter.add.f32 [tilespmem:s0], [sflag:$0x2], $0x40, s19, s14, $0xb8;
	[tilespmem:$0x1DA80] =	vst v63  }
.Ltmp11:
0x248: {  	_ = 	snop;
	(pc) =	sbr.rel @!p1 .LBB2_10-.Ltmp11, $4  }
.Ltmp12:
0x249: {  	_ = 	snop;
	(pc) =	sbr.rel @p1 .LBB2_16-.Ltmp12, $4  }
0x24a: {  	_ =	swait.ge [sflag:s1], $0x2000  }
0x24b: {  	[sflag:s1] =	ssyncset.done $0x0  }
0x24c: {  	[sflag:s1] =	ssyncadd.s32 $0xFFFFE000  }
0x24d: {  	_ = 	snop  }
.LBB2_17:
0x24e: {  	_ =	sfence.sel $0x180000  }
0x24f: {  	[bflag:$0x0] =	sbarrier.arrive $0xFFFF  }
0x250: {  	_ =	strace $0x90000047  }
0x251: {  	s0 =	stileid.u32;
	[bflag:$0x2] =	sbarrier.arrive $0xFFFF  }
0x252: {  	p0 =	sne.s32 s0, $0x0;
	s0 =	rddreg [dreg:$0x3]  }
0x253: {  	s0 =	sadd.s32 @!p0 $0x100000, s0  }
0x254: {  	[sflag:s0] =	ssyncadd.tile.s32 @!p0 $0x1;
	_ =	shalt  }
.Lfunc_end2:
_tile_overlayer_lowered:
.L_overlay_start_2:
0x255: {  	(tag) =	ssettag $0x2  }
0x256: {  	s0 =	rddreg [dreg:$0x0];
	s2 =	stileid.u32  }
0x257: {  	s1 =	rddreg [dreg:$0x1];
	p0 =	sne.s32 s2, $0x0  }
0x258: {  	s3 =	rddreg [dreg:$0x2];
	[bflag:$0x3] =	sbarrier.arrive $0xFFFF;
	s2 =	simm.s32 @!p0 $0x1C02  }
0x259: {  	[timem:s3], [sflag:s2] =	dma.local @!p0 [hbm:s0], s1  }
0x25a: {  	s0 =	simm.s32 @!p0 $0x2  }
0x25b: {  	_ =	swait.ge @!p0 [sflag:s0], s1  }
0x25c: {  	s1 =	ssub.s32 @!p0 $0x0, s1;
	[sflag:s0] =	ssyncset.done @!p0 $0x0  }
0x25d: {  	[sflag:s0] =	ssyncadd.s32 @!p0 s1  }
0x25e: {  	[bflag:$0x3] =	sbarrier.arrive $0xFFFF  }
0x25f: {  	_ =	shalt  }

</sc_bundles>
